<compile_context>
chip_gen: v7x
topology: tpu7x:2x2x1
jax: 0.10.2.dev20260603
libtpu: 0.0.44.dev20260713+nightly
codegen_flags: <defaults>
</compile_context>

<pallas_src>
import functools

import jax
import jax.numpy as jnp
from jax import lax
from jax.experimental import pallas as pl
from jax.experimental.pallas import tpu as pltpu
from jax.experimental.pallas import tpu_sc as plsc

N = 10000
D = 128
E = 320000
NPAD = 10240
NT = 32
TPW = 79 * 128
EPAD = NT * TPW
BLK = 128
KB = TPW // BLK
DH = D // 2
STRIDE = NPAD // 16
BR = 1024
GRID = NPAD // BR

_mesh = plsc.VectorSubcoreMesh(core_axis_name="c", subcore_axis_name="s")
_sc_params = pltpu.CompilerParams(needs_layout_passes=False,
                                 use_tc_tiling_on_sc=False)


@functools.partial(
    pl.kernel,
    out_type=jax.ShapeDtypeStruct((NT, NPAD), jnp.float32),
    mesh=_mesh,
    scratch_types=[
        pltpu.VMEM((KB, BLK), jnp.int32),
        pltpu.VMEM((NPAD,), jnp.float32),
        pltpu.SemaphoreType.DMA,
    ],
    compiler_params=_sc_params,
)
def _deg_kernel(dst3, zvec, degp, dst_v, hist, sem):
    cid = lax.axis_index("c")
    sid = lax.axis_index("s")
    wid = cid * 16 + sid
    pltpu.async_copy(dst3.at[wid], dst_v, sem).wait()
    pltpu.sync_copy(zvec, hist)
    ones = jnp.ones((16,), jnp.float32)

    def body(t, carry):
        r = t >> 3
        c = (t & 7) * 16
        d16 = dst_v[r, pl.ds(c, 16)]
        plsc.addupdate_scatter(hist, [d16], ones)
        return carry

    lax.fori_loop(0, KB * 8, body, 0)
    pltpu.sync_copy(hist, degp.at[wid])


def _mm1_body(x_ref, w_ref, degp_ref, hp_ref):
    deg = jnp.sum(degp_ref[...], axis=0) + 1.0
    dinv = lax.rsqrt(deg)
    h = jnp.dot(x_ref[...], w_ref[...], preferred_element_type=jnp.float32)
    hp = h * dinv[:, None]
    hp_ref[0] = hp[:, :DH]
    hp_ref[1] = hp[:, DH:]


def _mm1(x_pad, W1, degp):
    return pl.pallas_call(
        _mm1_body,
        grid=(GRID,),
        in_specs=[
            pl.BlockSpec((BR, D), lambda i: (i, 0)),
            pl.BlockSpec((D, D), lambda i: (0, 0)),
            pl.BlockSpec((NT, BR), lambda i: (0, i)),
        ],
        out_specs=pl.BlockSpec((2, BR, DH), lambda i: (0, i, 0)),
        out_shape=jax.ShapeDtypeStruct((2, NPAD, DH), jnp.float32),
    )(x_pad, W1, degp)


@functools.partial(
    pl.kernel,
    out_type=jax.ShapeDtypeStruct((2, 2, NPAD, DH), jnp.float32),
    mesh=_mesh,
    scratch_types=[
        pltpu.VMEM((KB, BLK), jnp.int32),
        pltpu.VMEM((KB, BLK), jnp.int32),
        pltpu.VMEM((2 * BLK, DH), jnp.float32),
        pltpu.VMEM_SHARED((NPAD, DH), jnp.float32),
        pltpu.SemaphoreType.DMA,
        pltpu.SemaphoreType.DMA,
    ],
    compiler_params=_sc_params,
)
def _agg_kernel(hp2, src3, dst3, zeros_h, accp, src_v, dst_v, rows2,
                acc_sh, gsem, ssem):
    cid = lax.axis_index("c")
    sid = lax.axis_index("s")
    wid = cid * 16 + sid
    stripe = sid * STRIDE

    cp_s = pltpu.async_copy(src3.at[wid], src_v, gsem)
    cp_d = pltpu.async_copy(dst3.at[wid], dst_v, ssem)
    cp_s.wait()
    cp_d.wait()

    def dpass(d, carry):
        @pl.when(cid == 0)
        def _():
            pltpu.sync_copy(hp2.at[d, pl.ds(stripe, STRIDE)],
                            acc_sh.at[pl.ds(stripe, STRIDE)])

        @pl.when(cid == 1)
        def _():
            pltpu.sync_copy(zeros_h.at[pl.ds(stripe, STRIDE)],
                            acc_sh.at[pl.ds(stripe, STRIDE)])

        plsc.subcore_barrier()

        def ga(j):
            return pltpu.make_async_copy(
                hp2.at[d].at[src_v.at[j]],
                rows2.at[pl.ds((j % 2) * BLK, BLK)], gsem)

        def sc(j):
            return pltpu.make_async_copy(
                rows2.at[pl.ds((j % 2) * BLK, BLK)],
                acc_sh.at[dst_v.at[j]], ssem)

        def body(j, carry2):
            @pl.when((j >= 2) & (j - 2 < KB))
            def _():
                sc(j - 2).wait()

            @pl.when(j < KB)
            def _():
                ga(j).start()

            @pl.when((j >= 1) & (j - 1 < KB))
            def _():
                ga(j - 1).wait()
                sc(j - 1).start(add=True)
            return carry2

        lax.fori_loop(0, KB + 2, body, 0)
        plsc.subcore_barrier()
        pltpu.sync_copy(acc_sh.at[pl.ds(stripe, STRIDE)],
                        accp.at[cid, d, pl.ds(stripe, STRIDE)])
        return carry

    lax.fori_loop(0, 2, dpass, 0)


def _mid_body(accp_ref, degp_ref, b1_ref, w2_ref, gp_ref):
    i = pl.program_id(0)
    deg = jnp.sum(degp_ref[...], axis=0) + 1.0
    dinv = lax.rsqrt(deg)
    b1 = b1_ref[...]
    w2 = w2_ref[...]
    g = jnp.zeros((BR,), jnp.float32)
    for d in range(2):
        tot = accp_ref[0, d] + accp_ref[1, d]
        out1 = tot * dinv[:, None] + b1[d * DH:(d + 1) * DH][None, :]
        r = jnp.maximum(out1, 0.0)
        g = g + jnp.sum(r * w2[d * DH:(d + 1) * DH][None, :], axis=1)
    gpv = dinv * g
    rowid = lax.broadcasted_iota(jnp.int32, (BR, 1), 0)[:, 0] + i * BR
    gp_ref[...] = jnp.where(rowid < N, gpv, 0.0)


def _mid(accp, degp, b1, w2row):
    return pl.pallas_call(
        _mid_body,
        grid=(GRID,),
        in_specs=[
            pl.BlockSpec((2, 2, BR, DH), lambda i: (0, 0, i, 0)),
            pl.BlockSpec((NT, BR), lambda i: (0, i)),
            pl.BlockSpec((D,), lambda i: (0,)),
            pl.BlockSpec((D,), lambda i: (0,)),
        ],
        out_specs=pl.BlockSpec((BR,), lambda i: (i,)),
        out_shape=jax.ShapeDtypeStruct((NPAD,), jnp.float32),
    )(accp, degp, b1, w2row)


@functools.partial(
    pl.kernel,
    out_type=jax.ShapeDtypeStruct((NT, NPAD), jnp.float32),
    mesh=_mesh,
    scratch_types=[
        pltpu.VMEM((NPAD,), jnp.float32),
        pltpu.VMEM((NPAD,), jnp.float32),
        pltpu.VMEM((KB, BLK), jnp.int32),
        pltpu.VMEM((KB, BLK), jnp.int32),
        pltpu.SemaphoreType.DMA,
    ],
    compiler_params=_sc_params,
)
def _agg2_kernel(gp, src3, dst3, zvec, acc2p, gp_v, acc2, src_v, dst_v, sem):
    cid = lax.axis_index("c")
    sid = lax.axis_index("s")
    wid = cid * 16 + sid
    pltpu.async_copy(src3.at[wid], src_v, sem).wait()
    pltpu.async_copy(dst3.at[wid], dst_v, sem).wait()
    pltpu.sync_copy(gp, gp_v)
    pltpu.sync_copy(zvec, acc2)

    def body(t, carry):
        r = t >> 3
        c = (t & 7) * 16
        s16 = src_v[r, pl.ds(c, 16)]
        d16 = dst_v[r, pl.ds(c, 16)]
        v = plsc.load_gather(gp_v, [s16])
        plsc.addupdate_scatter(acc2, [d16], v)
        return carry

    lax.fori_loop(0, KB * 8, body, 0)
    pltpu.sync_copy(acc2, acc2p.at[wid])


def _fin_body(acc2p_ref, gp_ref, degp_ref, b2_ref, out_ref):
    deg = jnp.sum(degp_ref[...], axis=0) + 1.0
    dinv = lax.rsqrt(deg)
    z = dinv * (jnp.sum(acc2p_ref[...], axis=0) + gp_ref[...]) + b2_ref[0]
    out_ref[...] = jax.nn.sigmoid(z)


def _fin(acc2p, gp, degp, b2):
    return pl.pallas_call(
        _fin_body,
        grid=(GRID,),
        in_specs=[
            pl.BlockSpec((NT, BR), lambda i: (0, i)),
            pl.BlockSpec((BR,), lambda i: (i,)),
            pl.BlockSpec((NT, BR), lambda i: (0, i)),
            pl.BlockSpec(memory_space=pltpu.SMEM),
        ],
        out_specs=pl.BlockSpec((BR,), lambda i: (i,)),
        out_shape=jax.ShapeDtypeStruct((NPAD,), jnp.float32),
    )(acc2p, gp, degp, b2)


def kernel(x, edge_index, W1, b1, W2, b2):
    ei = edge_index.astype(jnp.int32)
    src = jnp.concatenate(
        [ei[0], jnp.full((EPAD - E,), N, jnp.int32)]).reshape(NT, KB, BLK)
    dst = jnp.concatenate(
        [ei[1], jnp.full((EPAD - E,), N, jnp.int32)]).reshape(NT, KB, BLK)
    x_pad = jnp.pad(x, ((0, NPAD - N), (0, 0)))
    zeros_h = jnp.zeros((NPAD, DH), jnp.float32)
    zvec = jnp.zeros((NPAD,), jnp.float32)

    degp = _deg_kernel(dst, zvec)
    hp = _mm1(x_pad, W1, degp)
    accp = _agg_kernel(hp, src, dst, zeros_h)
    gp = _mid(accp, degp, b1, W2[:, 0])
    acc2p = _agg2_kernel(gp, src, dst, zvec)
    out = _fin(acc2p, gp, degp, b2)
    return out[:N].reshape(N, 1)

# --- scband reference (transcript-rebuilt; emitter-appended) ---
"""Pipeline reference for scband-gcnfraud-detector-26096221290644 (READ-ONLY COPY).

The authoritative reference and input builder live on the scoring server;
editing this copy changes nothing except your own understanding.
"""

import jax, jax.numpy as jnp
import numpy as np

N_NODES = 10000
N_EDGES = 320000
D_IN = 128
D_HID = 128
D_OUT = 1


def setup_inputs(seed: int = 0) -> dict:
    key = jax.random.key(seed)
    k1, k2, k3, k4, k5, k6 = jax.random.split(key, 6)
    x = jax.random.normal(k1, (N_NODES, D_IN), dtype=jnp.float32)
    edge_index = jax.random.randint(k2, (2, N_EDGES), 0, N_NODES, dtype=jnp.int64)
    # Glorot-ish init for GCN linear layers
    W1 = jax.random.normal(k3, (D_IN, D_HID), dtype=jnp.float32) * (1.0 / np.sqrt(D_IN))
    b1 = jnp.zeros((D_HID,), dtype=jnp.float32)
    W2 = jax.random.normal(k4, (D_HID, D_OUT), dtype=jnp.float32) * (1.0 / np.sqrt(D_HID))
    b2 = jnp.zeros((D_OUT,), dtype=jnp.float32)
    return {"x": x, "edge_index": edge_index, "W1": W1, "b1": b1, "W2": W2, "b2": b2}


def _gcn_conv(x, src, dst, W, b):
    # GCNConv: linear transform, then symmetric-normalized sum aggregation with self-loops
    n = x.shape[0]
    h = x @ W
    loop = jnp.arange(n, dtype=src.dtype)
    s = jnp.concatenate([src, loop])
    d = jnp.concatenate([dst, loop])
    deg = jnp.zeros((n,), dtype=h.dtype).at[d].add(1.0)
    dinv = jnp.where(deg > 0, jax.lax.rsqrt(deg), 0.0)
    norm = dinv[s] * dinv[d]
    msg = h[s] * norm[:, None]
    out = jnp.zeros_like(h).at[d].add(msg)
    return out + b


def reference(x, edge_index, W1, b1, W2, b2):
    src = edge_index[0]
    dst = edge_index[1]
    h = _gcn_conv(x, src, dst, W1, b1)
    h = jax.nn.relu(h)
    # dropout is identity in eval mode
    h = _gcn_conv(h, src, dst, W2, b2)
    return jax.nn.sigmoid(h)

if __name__ == "__main__":
    import jax
    _d = setup_inputs()
    print(jax.jit(kernel)(*tuple(_d.values())))

</pallas_src>

<mosaic_0001>
#map = affine_map<(d0, d1) -> (0, 0, 0)>
#map1 = affine_map<(d0, d1) -> (0)>
#map2 = affine_map<(d0, d1) -> (0, 0)>
module attributes {stable_mosaic.version = 14 : i64} {
  func.func @_deg_kernel(%arg0: i32, %arg1: i32, %arg2: memref<32x79x128xi32, #tpu.memory_space<hbm>>, %arg3: memref<10240xf32, #tpu.memory_space<hbm>>, %arg4: memref<32x10240xf32, #tpu.memory_space<hbm>>, %arg5: memref<79x128xi32, #tpu.memory_space<vmem>>, %arg6: memref<10240xf32, #tpu.memory_space<vmem>>, %arg7: memref<!tpu.dma_semaphore, #tpu.memory_space<semaphore_mem>>) attributes {dimension_semantics = [#tpu.dimension_semantics<core_parallel>, #tpu.dimension_semantics<subcore_parallel>], iteration_bounds = array<i64: 2, 16>, scalar_prefetch = 0 : i64, scratch_operands = 3 : i64, tpu.core_type = #tpu.core_type<sc_vector_subcore>, window_params = [{transform_indices = #map}, {transform_indices = #map1}, {transform_indices = #map2}]} {
    %mul3A = arith.constant 16 : i32
    %mul3A_0 = arith.muli %arg0, %mul3A : i32
    %add3A = arith.addi %mul3A_0, %arg1 : i32
    %dma_start3A = arith.constant 0 : i32
    %dma_start3A_1 = arith.constant 0 : i32
    %dma_start3A_2 = tpu.memref_slice %arg2[%add3A, %dma_start3A, %dma_start3A_1] : memref<32x79x128xi32, #tpu.memory_space<hbm>> -> memref<1x79x128xi32, #tpu.memory_space<hbm>>
    %dma_start3A_3 = tpu.memref_squeeze %dma_start3A_2 : memref<1x79x128xi32, #tpu.memory_space<hbm>> -> memref<79x128xi32, #tpu.memory_space<hbm>>
    %dma_start3A_4 = arith.constant 0 : i32
    %dma_start3A_5 = arith.constant 0 : i32
    %dma_start3A_6 = tpu.memref_slice %arg2[%add3A, %dma_start3A_4, %dma_start3A_5] : memref<32x79x128xi32, #tpu.memory_space<hbm>> -> memref<1x79x128xi32, #tpu.memory_space<hbm>>
    %dma_start3A_7 = tpu.memref_squeeze %dma_start3A_6 : memref<1x79x128xi32, #tpu.memory_space<hbm>> -> memref<79x128xi32, #tpu.memory_space<hbm>>
    tpu.enqueue_dma source(%dma_start3A_7 : memref<79x128xi32, #tpu.memory_space<hbm>>) target(%arg5 : memref<79x128xi32, #tpu.memory_space<vmem>>) target_semaphore(%arg7 : memref<!tpu.dma_semaphore, #tpu.memory_space<semaphore_mem>>)
    %dma_wait3A = arith.constant 0 : i32
    %dma_wait3A_8 = arith.constant 0 : i32
    %dma_wait3A_9 = tpu.memref_slice %arg2[%add3A, %dma_wait3A, %dma_wait3A_8] : memref<32x79x128xi32, #tpu.memory_space<hbm>> -> memref<1x79x128xi32, #tpu.memory_space<hbm>>
    %dma_wait3A_10 = tpu.memref_squeeze %dma_wait3A_9 : memref<1x79x128xi32, #tpu.memory_space<hbm>> -> memref<79x128xi32, #tpu.memory_space<hbm>>
    %dma_wait3A_11 = arith.constant 0 : i32
    %dma_wait3A_12 = arith.constant 0 : i32
    %dma_wait3A_13 = tpu.memref_slice %arg2[%add3A, %dma_wait3A_11, %dma_wait3A_12] : memref<32x79x128xi32, #tpu.memory_space<hbm>> -> memref<1x79x128xi32, #tpu.memory_space<hbm>>
    %dma_wait3A_14 = tpu.memref_squeeze %dma_wait3A_13 : memref<1x79x128xi32, #tpu.memory_space<hbm>> -> memref<79x128xi32, #tpu.memory_space<hbm>>
    tpu.wait_dma2 semaphore(%arg7 : memref<!tpu.dma_semaphore, #tpu.memory_space<semaphore_mem>>) src(%dma_wait3A_14 : memref<79x128xi32, #tpu.memory_space<hbm>>) dst(%arg5 : memref<79x128xi32, #tpu.memory_space<vmem>>)
    "tpu.region"() ({
      %run_scoped3A = tpu.sem_alloc : memref<!tpu.dma_semaphore, #tpu.memory_space<semaphore_mem>>
      tpu.enqueue_dma source(%arg3 : memref<10240xf32, #tpu.memory_space<hbm>>) target(%arg6 : memref<10240xf32, #tpu.memory_space<vmem>>) target_semaphore(%run_scoped3A : memref<!tpu.dma_semaphore, #tpu.memory_space<semaphore_mem>>)
      tpu.wait_dma2 semaphore(%run_scoped3A : memref<!tpu.dma_semaphore, #tpu.memory_space<semaphore_mem>>) src(%arg3 : memref<10240xf32, #tpu.memory_space<hbm>>) dst(%arg6 : memref<10240xf32, #tpu.memory_space<vmem>>)
      tpu.yield
    }) : () -> ()
    %broadcast_in_dim3A = arith.constant 1.000000e+00 : f32
    %broadcast_in_dim3A_15 = vector.broadcast %broadcast_in_dim3A : f32 to vector<16xf32>
    %scan3A = arith.constant 0 : i32
    %scan3A_16 = arith.constant 0 : i32
    %scan3A_17 = arith.constant 632 : i32
    %scan3A_18 = arith.addi %scan3A_16, %scan3A_17 : i32
    %scan3A_19 = arith.constant 1 : i32
    scf.for %scan3A_21 = %scan3A_16 to %scan3A_18 step %scan3A_19  : i32 {
      %shift_right_arithmetic3A = arith.constant 3 : i32
      %shift_right_arithmetic3A_22 = arith.shrsi %scan3A_21, %shift_right_arithmetic3A : i32
      %and3A = arith.constant 7 : i32
      %and3A_23 = arith.andi %scan3A_21, %and3A : i32
      %mul3A_24 = arith.constant 16 : i32
      %mul3A_25 = arith.muli %and3A_23, %mul3A_24 : i32
      %get3A = arith.index_cast %shift_right_arithmetic3A_22 : i32 to index
      %get3A_26 = arith.index_cast %mul3A_25 : i32 to index
      %get3A_27 = tpu.vector_load %arg5[%get3A, %get3A_26] {strides = array<i32>} : memref<79x128xi32, #tpu.memory_space<vmem>>, vector<16xi32>,
      tpu.vector_store_idx %arg6[%get3A_27], %broadcast_in_dim3A_15 {add = true} : memref<10240xf32, #tpu.memory_space<vmem>>[vector<16xi32>], vector<16xf32>,
    }
    %scan3A_20 = arith.constant 632 : i32
    "tpu.region"() ({
      %run_scoped3A = tpu.sem_alloc : memref<!tpu.dma_semaphore, #tpu.memory_space<semaphore_mem>>
      %dma_start3A_21 = arith.constant 0 : i32
      %dma_start3A_22 = tpu.memref_slice %arg4[%add3A, %dma_start3A_21] : memref<32x10240xf32, #tpu.memory_space<hbm>> -> memref<1x10240xf32, #tpu.memory_space<hbm>>
      %dma_start3A_23 = tpu.memref_squeeze %dma_start3A_22 : memref<1x10240xf32, #tpu.memory_space<hbm>> -> memref<10240xf32, #tpu.memory_space<hbm>>
      %dma_start3A_24 = arith.constant 0 : i32
      %dma_start3A_25 = tpu.memref_slice %arg4[%add3A, %dma_start3A_24] : memref<32x10240xf32, #tpu.memory_space<hbm>> -> memref<1x10240xf32, #tpu.memory_space<hbm>>
      %dma_start3A_26 = tpu.memref_squeeze %dma_start3A_25 : memref<1x10240xf32, #tpu.memory_space<hbm>> -> memref<10240xf32, #tpu.memory_space<hbm>>
      tpu.enqueue_dma source(%arg6 : memref<10240xf32, #tpu.memory_space<vmem>>) target(%dma_start3A_26 : memref<10240xf32, #tpu.memory_space<hbm>>) target_semaphore(%run_scoped3A : memref<!tpu.dma_semaphore, #tpu.memory_space<semaphore_mem>>)
      %dma_wait3A_27 = arith.constant 0 : i32
      %dma_wait3A_28 = tpu.memref_slice %arg4[%add3A, %dma_wait3A_27] : memref<32x10240xf32, #tpu.memory_space<hbm>> -> memref<1x10240xf32, #tpu.memory_space<hbm>>
      %dma_wait3A_29 = tpu.memref_squeeze %dma_wait3A_28 : memref<1x10240xf32, #tpu.memory_space<hbm>> -> memref<10240xf32, #tpu.memory_space<hbm>>
      %dma_wait3A_30 = arith.constant 0 : i32
      %dma_wait3A_31 = tpu.memref_slice %arg4[%add3A, %dma_wait3A_30] : memref<32x10240xf32, #tpu.memory_space<hbm>> -> memref<1x10240xf32, #tpu.memory_space<hbm>>
      %dma_wait3A_32 = tpu.memref_squeeze %dma_wait3A_31 : memref<1x10240xf32, #tpu.memory_space<hbm>> -> memref<10240xf32, #tpu.memory_space<hbm>>
      tpu.wait_dma2 semaphore(%run_scoped3A : memref<!tpu.dma_semaphore, #tpu.memory_space<semaphore_mem>>) src(%arg6 : memref<10240xf32, #tpu.memory_space<vmem>>) dst(%dma_wait3A_32 : memref<10240xf32, #tpu.memory_space<hbm>>)
      tpu.yield
    }) : () -> ()
    return
  }
}

#map = affine_map<(d0, d1) -> (0)>
#map1 = affine_map<(d0, d1) -> (0, 0, 0)>
#map2 = affine_map<(d0, d1) -> (0, 0)>
module attributes {stable_mosaic.version = 14 : i64} {
  func.func @_agg2_kernel(%arg0: i32, %arg1: i32, %arg2: memref<10240xf32, #tpu.memory_space<hbm>>, %arg3: memref<32x79x128xi32, #tpu.memory_space<hbm>>, %arg4: memref<32x79x128xi32, #tpu.memory_space<hbm>>, %arg5: memref<10240xf32, #tpu.memory_space<hbm>>, %arg6: memref<32x10240xf32, #tpu.memory_space<hbm>>, %arg7: memref<10240xf32, #tpu.memory_space<vmem>>, %arg8: memref<10240xf32, #tpu.memory_space<vmem>>, %arg9: memref<79x128xi32, #tpu.memory_space<vmem>>, %arg10: memref<79x128xi32, #tpu.memory_space<vmem>>, %arg11: memref<!tpu.dma_semaphore, #tpu.memory_space<semaphore_mem>>) attributes {dimension_semantics = [#tpu.dimension_semantics<core_parallel>, #tpu.dimension_semantics<subcore_parallel>], iteration_bounds = array<i64: 2, 16>, scalar_prefetch = 0 : i64, scratch_operands = 5 : i64, tpu.core_type = #tpu.core_type<sc_vector_subcore>, window_params = [{transform_indices = #map}, {transform_indices = #map1}, {transform_indices = #map1}, {transform_indices = #map}, {transform_indices = #map2}]} {
    %mul3A = arith.constant 16 : i32
    %mul3A_0 = arith.muli %arg0, %mul3A : i32
    %add3A = arith.addi %mul3A_0, %arg1 : i32
    %dma_start3A = arith.constant 0 : i32
    %dma_start3A_1 = arith.constant 0 : i32
    %dma_start3A_2 = tpu.memref_slice %arg3[%add3A, %dma_start3A, %dma_start3A_1] : memref<32x79x128xi32, #tpu.memory_space<hbm>> -> memref<1x79x128xi32, #tpu.memory_space<hbm>>
    %dma_start3A_3 = tpu.memref_squeeze %dma_start3A_2 : memref<1x79x128xi32, #tpu.memory_space<hbm>> -> memref<79x128xi32, #tpu.memory_space<hbm>>
    %dma_start3A_4 = arith.constant 0 : i32
    %dma_start3A_5 = arith.constant 0 : i32
    %dma_start3A_6 = tpu.memref_slice %arg3[%add3A, %dma_start3A_4, %dma_start3A_5] : memref<32x79x128xi32, #tpu.memory_space<hbm>> -> memref<1x79x128xi32, #tpu.memory_space<hbm>>
    %dma_start3A_7 = tpu.memref_squeeze %dma_start3A_6 : memref<1x79x128xi32, #tpu.memory_space<hbm>> -> memref<79x128xi32, #tpu.memory_space<hbm>>
    tpu.enqueue_dma source(%dma_start3A_7 : memref<79x128xi32, #tpu.memory_space<hbm>>) target(%arg9 : memref<79x128xi32, #tpu.memory_space<vmem>>) target_semaphore(%arg11 : memref<!tpu.dma_semaphore, #tpu.memory_space<semaphore_mem>>)
    %dma_wait3A = arith.constant 0 : i32
    %dma_wait3A_8 = arith.constant 0 : i32
    %dma_wait3A_9 = tpu.memref_slice %arg3[%add3A, %dma_wait3A, %dma_wait3A_8] : memref<32x79x128xi32, #tpu.memory_space<hbm>> -> memref<1x79x128xi32, #tpu.memory_space<hbm>>
    %dma_wait3A_10 = tpu.memref_squeeze %dma_wait3A_9 : memref<1x79x128xi32, #tpu.memory_space<hbm>> -> memref<79x128xi32, #tpu.memory_space<hbm>>
    %dma_wait3A_11 = arith.constant 0 : i32
    %dma_wait3A_12 = arith.constant 0 : i32
    %dma_wait3A_13 = tpu.memref_slice %arg3[%add3A, %dma_wait3A_11, %dma_wait3A_12] : memref<32x79x128xi32, #tpu.memory_space<hbm>> -> memref<1x79x128xi32, #tpu.memory_space<hbm>>
    %dma_wait3A_14 = tpu.memref_squeeze %dma_wait3A_13 : memref<1x79x128xi32, #tpu.memory_space<hbm>> -> memref<79x128xi32, #tpu.memory_space<hbm>>
    tpu.wait_dma2 semaphore(%arg11 : memref<!tpu.dma_semaphore, #tpu.memory_space<semaphore_mem>>) src(%dma_wait3A_14 : memref<79x128xi32, #tpu.memory_space<hbm>>) dst(%arg9 : memref<79x128xi32, #tpu.memory_space<vmem>>)
    %dma_start3A_15 = arith.constant 0 : i32
    %dma_start3A_16 = arith.constant 0 : i32
    %dma_start3A_17 = tpu.memref_slice %arg4[%add3A, %dma_start3A_15, %dma_start3A_16] : memref<32x79x128xi32, #tpu.memory_space<hbm>> -> memref<1x79x128xi32, #tpu.memory_space<hbm>>
    %dma_start3A_18 = tpu.memref_squeeze %dma_start3A_17 : memref<1x79x128xi32, #tpu.memory_space<hbm>> -> memref<79x128xi32, #tpu.memory_space<hbm>>
    %dma_start3A_19 = arith.constant 0 : i32
    %dma_start3A_20 = arith.constant 0 : i32
    %dma_start3A_21 = tpu.memref_slice %arg4[%add3A, %dma_start3A_19, %dma_start3A_20] : memref<32x79x128xi32, #tpu.memory_space<hbm>> -> memref<1x79x128xi32, #tpu.memory_space<hbm>>
    %dma_start3A_22 = tpu.memref_squeeze %dma_start3A_21 : memref<1x79x128xi32, #tpu.memory_space<hbm>> -> memref<79x128xi32, #tpu.memory_space<hbm>>
    tpu.enqueue_dma source(%dma_start3A_22 : memref<79x128xi32, #tpu.memory_space<hbm>>) target(%arg10 : memref<79x128xi32, #tpu.memory_space<vmem>>) target_semaphore(%arg11 : memref<!tpu.dma_semaphore, #tpu.memory_space<semaphore_mem>>)
    %dma_wait3A_23 = arith.constant 0 : i32
    %dma_wait3A_24 = arith.constant 0 : i32
    %dma_wait3A_25 = tpu.memref_slice %arg4[%add3A, %dma_wait3A_23, %dma_wait3A_24] : memref<32x79x128xi32, #tpu.memory_space<hbm>> -> memref<1x79x128xi32, #tpu.memory_space<hbm>>
    %dma_wait3A_26 = tpu.memref_squeeze %dma_wait3A_25 : memref<1x79x128xi32, #tpu.memory_space<hbm>> -> memref<79x128xi32, #tpu.memory_space<hbm>>
    %dma_wait3A_27 = arith.constant 0 : i32
    %dma_wait3A_28 = arith.constant 0 : i32
    %dma_wait3A_29 = tpu.memref_slice %arg4[%add3A, %dma_wait3A_27, %dma_wait3A_28] : memref<32x79x128xi32, #tpu.memory_space<hbm>> -> memref<1x79x128xi32, #tpu.memory_space<hbm>>
    %dma_wait3A_30 = tpu.memref_squeeze %dma_wait3A_29 : memref<1x79x128xi32, #tpu.memory_space<hbm>> -> memref<79x128xi32, #tpu.memory_space<hbm>>
    tpu.wait_dma2 semaphore(%arg11 : memref<!tpu.dma_semaphore, #tpu.memory_space<semaphore_mem>>) src(%dma_wait3A_30 : memref<79x128xi32, #tpu.memory_space<hbm>>) dst(%arg10 : memref<79x128xi32, #tpu.memory_space<vmem>>)
    "tpu.region"() ({
      %run_scoped3A = tpu.sem_alloc : memref<!tpu.dma_semaphore, #tpu.memory_space<semaphore_mem>>
      tpu.enqueue_dma source(%arg2 : memref<10240xf32, #tpu.memory_space<hbm>>) target(%arg7 : memref<10240xf32, #tpu.memory_space<vmem>>) target_semaphore(%run_scoped3A : memref<!tpu.dma_semaphore, #tpu.memory_space<semaphore_mem>>)
      tpu.wait_dma2 semaphore(%run_scoped3A : memref<!tpu.dma_semaphore, #tpu.memory_space<semaphore_mem>>) src(%arg2 : memref<10240xf32, #tpu.memory_space<hbm>>) dst(%arg7 : memref<10240xf32, #tpu.memory_space<vmem>>)
      tpu.yield
    }) : () -> ()
    "tpu.region"() ({
      %run_scoped3A = tpu.sem_alloc : memref<!tpu.dma_semaphore, #tpu.memory_space<semaphore_mem>>
      tpu.enqueue_dma source(%arg5 : memref<10240xf32, #tpu.memory_space<hbm>>) target(%arg8 : memref<10240xf32, #tpu.memory_space<vmem>>) target_semaphore(%run_scoped3A : memref<!tpu.dma_semaphore, #tpu.memory_space<semaphore_mem>>)
      tpu.wait_dma2 semaphore(%run_scoped3A : memref<!tpu.dma_semaphore, #tpu.memory_space<semaphore_mem>>) src(%arg5 : memref<10240xf32, #tpu.memory_space<hbm>>) dst(%arg8 : memref<10240xf32, #tpu.memory_space<vmem>>)
      tpu.yield
    }) : () -> ()
    %scan3A = arith.constant 0 : i32
    %scan3A_31 = arith.constant 0 : i32
    %scan3A_32 = arith.constant 632 : i32
    %scan3A_33 = arith.addi %scan3A_31, %scan3A_32 : i32
    %scan3A_34 = arith.constant 1 : i32
    scf.for %scan3A_36 = %scan3A_31 to %scan3A_33 step %scan3A_34  : i32 {
      %shift_right_arithmetic3A = arith.constant 3 : i32
      %shift_right_arithmetic3A_37 = arith.shrsi %scan3A_36, %shift_right_arithmetic3A : i32
      %and3A = arith.constant 7 : i32
      %and3A_38 = arith.andi %scan3A_36, %and3A : i32
      %mul3A_39 = arith.constant 16 : i32
      %mul3A_40 = arith.muli %and3A_38, %mul3A_39 : i32
      %get3A = arith.index_cast %shift_right_arithmetic3A_37 : i32 to index
      %get3A_41 = arith.index_cast %mul3A_40 : i32 to index
      %get3A_42 = tpu.vector_load %arg9[%get3A, %get3A_41] {strides = array<i32>} : memref<79x128xi32, #tpu.memory_space<vmem>>, vector<16xi32>,
      %get3A_43 = arith.index_cast %shift_right_arithmetic3A_37 : i32 to index
      %get3A_44 = arith.index_cast %mul3A_40 : i32 to index
      %get3A_45 = tpu.vector_load %arg10[%get3A_43, %get3A_44] {strides = array<i32>} : memref<79x128xi32, #tpu.memory_space<vmem>>, vector<16xi32>,
      %gather3A = tpu.vector_load_idx %arg7[%get3A_42] : memref<10240xf32, #tpu.memory_space<vmem>>[vector<16xi32>], vector<16xf32>,
      tpu.vector_store_idx %arg8[%get3A_45], %gather3A {add = true} : memref<10240xf32, #tpu.memory_space<vmem>>[vector<16xi32>], vector<16xf32>,
    }
    %scan3A_35 = arith.constant 632 : i32
    "tpu.region"() ({
      %run_scoped3A = tpu.sem_alloc : memref<!tpu.dma_semaphore, #tpu.memory_space<semaphore_mem>>
      %dma_start3A_36 = arith.constant 0 : i32
      %dma_start3A_37 = tpu.memref_slice %arg6[%add3A, %dma_start3A_36] : memref<32x10240xf32, #tpu.memory_space<hbm>> -> memref<1x10240xf32, #tpu.memory_space<hbm>>
      %dma_start3A_38 = tpu.memref_squeeze %dma_start3A_37 : memref<1x10240xf32, #tpu.memory_space<hbm>> -> memref<10240xf32, #tpu.memory_space<hbm>>
      %dma_start3A_39 = arith.constant 0 : i32
      %dma_start3A_40 = tpu.memref_slice %arg6[%add3A, %dma_start3A_39] : memref<32x10240xf32, #tpu.memory_space<hbm>> -> memref<1x10240xf32, #tpu.memory_space<hbm>>
      %dma_start3A_41 = tpu.memref_squeeze %dma_start3A_40 : memref<1x10240xf32, #tpu.memory_space<hbm>> -> memref<10240xf32, #tpu.memory_space<hbm>>
      tpu.enqueue_dma source(%arg8 : memref<10240xf32, #tpu.memory_space<vmem>>) target(%dma_start3A_41 : memref<10240xf32, #tpu.memory_space<hbm>>) target_semaphore(%run_scoped3A : memref<!tpu.dma_semaphore, #tpu.memory_space<semaphore_mem>>)
      %dma_wait3A_42 = arith.constant 0 : i32
      %dma_wait3A_43 = tpu.memref_slice %arg6[%add3A, %dma_wait3A_42] : memref<32x10240xf32, #tpu.memory_space<hbm>> -> memref<1x10240xf32, #tpu.memory_space<hbm>>
      %dma_wait3A_44 = tpu.memref_squeeze %dma_wait3A_43 : memref<1x10240xf32, #tpu.memory_space<hbm>> -> memref<10240xf32, #tpu.memory_space<hbm>>
      %dma_wait3A_45 = arith.constant 0 : i32
      %dma_wait3A_46 = tpu.memref_slice %arg6[%add3A, %dma_wait3A_45] : memref<32x10240xf32, #tpu.memory_space<hbm>> -> memref<1x10240xf32, #tpu.memory_space<hbm>>
      %dma_wait3A_47 = tpu.memref_squeeze %dma_wait3A_46 : memref<1x10240xf32, #tpu.memory_space<hbm>> -> memref<10240xf32, #tpu.memory_space<hbm>>
      tpu.wait_dma2 semaphore(%run_scoped3A : memref<!tpu.dma_semaphore, #tpu.memory_space<semaphore_mem>>) src(%arg8 : memref<10240xf32, #tpu.memory_space<vmem>>) dst(%dma_wait3A_47 : memref<10240xf32, #tpu.memory_space<hbm>>)
      tpu.yield
    }) : () -> ()
    return
  }
}

#map = affine_map<(d0, d1) -> (0, 0, 0)>
#map1 = affine_map<(d0, d1) -> (0, 0)>
#map2 = affine_map<(d0, d1) -> (0, 0, 0, 0)>
module attributes {stable_mosaic.version = 14 : i64} {
  func.func @_agg_kernel(%arg0: i32, %arg1: i32, %arg2: memref<2x10240x64xf32, #tpu.memory_space<hbm>>, %arg3: memref<32x79x128xi32, #tpu.memory_space<hbm>>, %arg4: memref<32x79x128xi32, #tpu.memory_space<hbm>>, %arg5: memref<10240x64xf32, #tpu.memory_space<hbm>>, %arg6: memref<2x2x10240x64xf32, #tpu.memory_space<hbm>>, %arg7: memref<79x128xi32, #tpu.memory_space<vmem>>, %arg8: memref<79x128xi32, #tpu.memory_space<vmem>>, %arg9: memref<256x64xf32, #tpu.memory_space<vmem>>, %arg10: memref<10240x64xf32, #tpu.memory_space<vmem_shared>>, %arg11: memref<!tpu.dma_semaphore, #tpu.memory_space<semaphore_mem>>, %arg12: memref<!tpu.dma_semaphore, #tpu.memory_space<semaphore_mem>>) attributes {dimension_semantics = [#tpu.dimension_semantics<core_parallel>, #tpu.dimension_semantics<subcore_parallel>], iteration_bounds = array<i64: 2, 16>, scalar_prefetch = 0 : i64, scratch_operands = 6 : i64, tpu.core_type = #tpu.core_type<sc_vector_subcore>, window_params = [{transform_indices = #map}, {transform_indices = #map}, {transform_indices = #map}, {transform_indices = #map1}, {transform_indices = #map2}]} {
    %mul3A = arith.constant 16 : i32
    %mul3A_0 = arith.muli %arg0, %mul3A : i32
    %add3A = arith.addi %mul3A_0, %arg1 : i32
    %mul3A_1 = arith.constant 640 : i32
    %mul3A_2 = arith.muli %arg1, %mul3A_1 : i32
    %dma_start3A = arith.constant 0 : i32
    %dma_start3A_3 = arith.constant 0 : i32
    %dma_start3A_4 = tpu.memref_slice %arg3[%add3A, %dma_start3A, %dma_start3A_3] : memref<32x79x128xi32, #tpu.memory_space<hbm>> -> memref<1x79x128xi32, #tpu.memory_space<hbm>>
    %dma_start3A_5 = tpu.memref_squeeze %dma_start3A_4 : memref<1x79x128xi32, #tpu.memory_space<hbm>> -> memref<79x128xi32, #tpu.memory_space<hbm>>
    %dma_start3A_6 = arith.constant 0 : i32
    %dma_start3A_7 = arith.constant 0 : i32
    %dma_start3A_8 = tpu.memref_slice %arg3[%add3A, %dma_start3A_6, %dma_start3A_7] : memref<32x79x128xi32, #tpu.memory_space<hbm>> -> memref<1x79x128xi32, #tpu.memory_space<hbm>>
    %dma_start3A_9 = tpu.memref_squeeze %dma_start3A_8 : memref<1x79x128xi32, #tpu.memory_space<hbm>> -> memref<79x128xi32, #tpu.memory_space<hbm>>
    tpu.enqueue_dma source(%dma_start3A_9 : memref<79x128xi32, #tpu.memory_space<hbm>>) target(%arg7 : memref<79x128xi32, #tpu.memory_space<vmem>>) target_semaphore(%arg11 : memref<!tpu.dma_semaphore, #tpu.memory_space<semaphore_mem>>)
    %dma_start3A_10 = arith.constant 0 : i32
    %dma_start3A_11 = arith.constant 0 : i32
    %dma_start3A_12 = tpu.memref_slice %arg4[%add3A, %dma_start3A_10, %dma_start3A_11] : memref<32x79x128xi32, #tpu.memory_space<hbm>> -> memref<1x79x128xi32, #tpu.memory_space<hbm>>
    %dma_start3A_13 = tpu.memref_squeeze %dma_start3A_12 : memref<1x79x128xi32, #tpu.memory_space<hbm>> -> memref<79x128xi32, #tpu.memory_space<hbm>>
    %dma_start3A_14 = arith.constant 0 : i32
    %dma_start3A_15 = arith.constant 0 : i32
    %dma_start3A_16 = tpu.memref_slice %arg4[%add3A, %dma_start3A_14, %dma_start3A_15] : memref<32x79x128xi32, #tpu.memory_space<hbm>> -> memref<1x79x128xi32, #tpu.memory_space<hbm>>
    %dma_start3A_17 = tpu.memref_squeeze %dma_start3A_16 : memref<1x79x128xi32, #tpu.memory_space<hbm>> -> memref<79x128xi32, #tpu.memory_space<hbm>>
    tpu.enqueue_dma source(%dma_start3A_17 : memref<79x128xi32, #tpu.memory_space<hbm>>) target(%arg8 : memref<79x128xi32, #tpu.memory_space<vmem>>) target_semaphore(%arg12 : memref<!tpu.dma_semaphore, #tpu.memory_space<semaphore_mem>>)
    %dma_wait3A = arith.constant 0 : i32
    %dma_wait3A_18 = arith.constant 0 : i32
    %dma_wait3A_19 = tpu.memref_slice %arg3[%add3A, %dma_wait3A, %dma_wait3A_18] : memref<32x79x128xi32, #tpu.memory_space<hbm>> -> memref<1x79x128xi32, #tpu.memory_space<hbm>>
    %dma_wait3A_20 = tpu.memref_squeeze %dma_wait3A_19 : memref<1x79x128xi32, #tpu.memory_space<hbm>> -> memref<79x128xi32, #tpu.memory_space<hbm>>
    %dma_wait3A_21 = arith.constant 0 : i32
    %dma_wait3A_22 = arith.constant 0 : i32
    %dma_wait3A_23 = tpu.memref_slice %arg3[%add3A, %dma_wait3A_21, %dma_wait3A_22] : memref<32x79x128xi32, #tpu.memory_space<hbm>> -> memref<1x79x128xi32, #tpu.memory_space<hbm>>
    %dma_wait3A_24 = tpu.memref_squeeze %dma_wait3A_23 : memref<1x79x128xi32, #tpu.memory_space<hbm>> -> memref<79x128xi32, #tpu.memory_space<hbm>>
    tpu.wait_dma2 semaphore(%arg11 : memref<!tpu.dma_semaphore, #tpu.memory_space<semaphore_mem>>) src(%dma_wait3A_24 : memref<79x128xi32, #tpu.memory_space<hbm>>) dst(%arg7 : memref<79x128xi32, #tpu.memory_space<vmem>>)
    %dma_wait3A_25 = arith.constant 0 : i32
    %dma_wait3A_26 = arith.constant 0 : i32
    %dma_wait3A_27 = tpu.memref_slice %arg4[%add3A, %dma_wait3A_25, %dma_wait3A_26] : memref<32x79x128xi32, #tpu.memory_space<hbm>> -> memref<1x79x128xi32, #tpu.memory_space<hbm>>
    %dma_wait3A_28 = tpu.memref_squeeze %dma_wait3A_27 : memref<1x79x128xi32, #tpu.memory_space<hbm>> -> memref<79x128xi32, #tpu.memory_space<hbm>>
    %dma_wait3A_29 = arith.constant 0 : i32
    %dma_wait3A_30 = arith.constant 0 : i32
    %dma_wait3A_31 = tpu.memref_slice %arg4[%add3A, %dma_wait3A_29, %dma_wait3A_30] : memref<32x79x128xi32, #tpu.memory_space<hbm>> -> memref<1x79x128xi32, #tpu.memory_space<hbm>>
    %dma_wait3A_32 = tpu.memref_squeeze %dma_wait3A_31 : memref<1x79x128xi32, #tpu.memory_space<hbm>> -> memref<79x128xi32, #tpu.memory_space<hbm>>
    tpu.wait_dma2 semaphore(%arg12 : memref<!tpu.dma_semaphore, #tpu.memory_space<semaphore_mem>>) src(%dma_wait3A_32 : memref<79x128xi32, #tpu.memory_space<hbm>>) dst(%arg8 : memref<79x128xi32, #tpu.memory_space<vmem>>)
    %scan3A = arith.constant 0 : i32
    %scan3A_33 = arith.constant 0 : i32
    %scan3A_34 = arith.constant 2 : i32
    %scan3A_35 = arith.addi %scan3A_33, %scan3A_34 : i32
    %scan3A_36 = arith.constant 1 : i32
    scf.for %scan3A_38 = %scan3A_33 to %scan3A_35 step %scan3A_36  : i32 {
      %eq3A = arith.constant 0 : i32
      %eq3A_39 = arith.cmpi eq, %arg0, %eq3A : i32
      %convert_element_type3A = arith.extui %eq3A_39 : i1 to i32
      %cond3A = arith.constant 0 : i32
      %cond3A_40 = arith.cmpi ne, %convert_element_type3A, %cond3A : i32
      scf.if %cond3A_40 {
        "tpu.region"() ({
          %run_scoped3A = tpu.sem_alloc : memref<!tpu.dma_semaphore, #tpu.memory_space<semaphore_mem>>
          %dma_start3A_53 = arith.constant 0 : i32
          %dma_start3A_54 = tpu.memref_slice %arg10[%mul3A_2, %dma_start3A_53] : memref<10240x64xf32, #tpu.memory_space<vmem_shared>> -> memref<640x64xf32, #tpu.memory_space<vmem_shared>>
          %dma_start3A_55 = arith.constant 0 : i32
          %dma_start3A_56 = tpu.memref_slice %arg2[%scan3A_38, %mul3A_2, %dma_start3A_55] : memref<2x10240x64xf32, #tpu.memory_space<hbm>> -> memref<1x640x64xf32, #tpu.memory_space<hbm>>
          %dma_start3A_57 = tpu.memref_squeeze %dma_start3A_56 : memref<1x640x64xf32, #tpu.memory_space<hbm>> -> memref<640x64xf32, #tpu.memory_space<hbm>>
          tpu.enqueue_dma source(%dma_start3A_57 : memref<640x64xf32, #tpu.memory_space<hbm>>) target(%dma_start3A_54 : memref<640x64xf32, #tpu.memory_space<vmem_shared>>) target_semaphore(%run_scoped3A : memref<!tpu.dma_semaphore, #tpu.memory_space<semaphore_mem>>)
          %dma_wait3A_58 = arith.constant 0 : i32
          %dma_wait3A_59 = tpu.memref_slice %arg10[%mul3A_2, %dma_wait3A_58] : memref<10240x64xf32, #tpu.memory_space<vmem_shared>> -> memref<640x64xf32, #tpu.memory_space<vmem_shared>>
          %dma_wait3A_60 = arith.constant 0 : i32
          %dma_wait3A_61 = tpu.memref_slice %arg2[%scan3A_38, %mul3A_2, %dma_wait3A_60] : memref<2x10240x64xf32, #tpu.memory_space<hbm>> -> memref<1x640x64xf32, #tpu.memory_space<hbm>>
          %dma_wait3A_62 = tpu.memref_squeeze %dma_wait3A_61 : memref<1x640x64xf32, #tpu.memory_space<hbm>> -> memref<640x64xf32, #tpu.memory_space<hbm>>
          tpu.wait_dma2 semaphore(%run_scoped3A : memref<!tpu.dma_semaphore, #tpu.memory_space<semaphore_mem>>) src(%dma_wait3A_62 : memref<640x64xf32, #tpu.memory_space<hbm>>) dst(%dma_wait3A_59 : memref<640x64xf32, #tpu.memory_space<vmem_shared>>)
          tpu.yield
        }) : () -> ()
      } else {
      }
      %eq3A_41 = arith.constant 1 : i32
      %eq3A_42 = arith.cmpi eq, %arg0, %eq3A_41 : i32
      %convert_element_type3A_43 = arith.extui %eq3A_42 : i1 to i32
      %cond3A_44 = arith.constant 0 : i32
      %cond3A_45 = arith.cmpi ne, %convert_element_type3A_43, %cond3A_44 : i32
      scf.if %cond3A_45 {
        "tpu.region"() ({
          %run_scoped3A = tpu.sem_alloc : memref<!tpu.dma_semaphore, #tpu.memory_space<semaphore_mem>>
          %dma_start3A_53 = arith.constant 0 : i32
          %dma_start3A_54 = tpu.memref_slice %arg10[%mul3A_2, %dma_start3A_53] : memref<10240x64xf32, #tpu.memory_space<vmem_shared>> -> memref<640x64xf32, #tpu.memory_space<vmem_shared>>
          %dma_start3A_55 = arith.constant 0 : i32
          %dma_start3A_56 = tpu.memref_slice %arg5[%mul3A_2, %dma_start3A_55] : memref<10240x64xf32, #tpu.memory_space<hbm>> -> memref<640x64xf32, #tpu.memory_space<hbm>>
          tpu.enqueue_dma source(%dma_start3A_56 : memref<640x64xf32, #tpu.memory_space<hbm>>) target(%dma_start3A_54 : memref<640x64xf32, #tpu.memory_space<vmem_shared>>) target_semaphore(%run_scoped3A : memref<!tpu.dma_semaphore, #tpu.memory_space<semaphore_mem>>)
          %dma_wait3A_57 = arith.constant 0 : i32
          %dma_wait3A_58 = tpu.memref_slice %arg10[%mul3A_2, %dma_wait3A_57] : memref<10240x64xf32, #tpu.memory_space<vmem_shared>> -> memref<640x64xf32, #tpu.memory_space<vmem_shared>>
          %dma_wait3A_59 = arith.constant 0 : i32
          %dma_wait3A_60 = tpu.memref_slice %arg5[%mul3A_2, %dma_wait3A_59] : memref<10240x64xf32, #tpu.memory_space<hbm>> -> memref<640x64xf32, #tpu.memory_space<hbm>>
          tpu.wait_dma2 semaphore(%run_scoped3A : memref<!tpu.dma_semaphore, #tpu.memory_space<semaphore_mem>>) src(%dma_wait3A_60 : memref<640x64xf32, #tpu.memory_space<hbm>>) dst(%dma_wait3A_58 : memref<640x64xf32, #tpu.memory_space<vmem_shared>>)
          tpu.yield
        }) : () -> ()
      } else {
      }
      %barrier3A = arith.constant 0 : index
      tpu.barrier barrier_id(%barrier3A)
      %scan3A_46 = arith.constant 0 : i32
      %scan3A_47 = arith.constant 0 : i32
      %scan3A_48 = arith.constant 81 : i32
      %scan3A_49 = arith.addi %scan3A_47, %scan3A_48 : i32
      %scan3A_50 = arith.constant 1 : i32
      scf.for %scan3A_53 = %scan3A_47 to %scan3A_49 step %scan3A_50  : i32 {
        %ge3A = arith.constant 2 : i32
        %ge3A_54 = arith.cmpi sge, %scan3A_53, %ge3A : i32
        %sub3A = arith.constant 2 : i32
        %sub3A_55 = arith.subi %scan3A_53, %sub3A : i32
        %lt3A = arith.constant 79 : i32
        %lt3A_56 = arith.cmpi slt, %sub3A_55, %lt3A : i32
        %and3A = arith.andi %ge3A_54, %lt3A_56 : i1
        %convert_element_type3A_57 = arith.extui %and3A : i1 to i32
        %cond3A_58 = arith.constant 0 : i32
        %cond3A_59 = arith.cmpi ne, %convert_element_type3A_57, %cond3A_58 : i32
        scf.if %cond3A_59 {
          %sub3A_75 = arith.constant 2 : i32
          %sub3A_76 = arith.subi %scan3A_53, %sub3A_75 : i32
          %jit3A = arith.constant 2 : i32
          %eq3A_77 = arith.constant 0 : i32
          %eq3A_78 = arith.cmpi eq, %jit3A, %eq3A_77 : i32
          %jit3A_79 = arith.constant 1 : i32
          %select_n3A = arith.select %eq3A_78, %jit3A_79, %jit3A : i32
          %rem3A = arith.remsi %sub3A_76, %select_n3A : i32
          %ne3A = arith.constant 0 : i32
          %ne3A_80 = arith.cmpi ne, %rem3A, %ne3A : i32
          %lt3A_81 = arith.constant 0 : i32
          %lt3A_82 = arith.cmpi slt, %rem3A, %lt3A_81 : i32
          %lt3A_83 = arith.constant 0 : i32
          %lt3A_84 = arith.cmpi slt, %select_n3A, %lt3A_83 : i32
          %ne3A_85 = arith.xori %lt3A_82, %lt3A_84 : i1
          %and3A_86 = arith.andi %ne3A_85, %ne3A_80 : i1
          %add3A_87 = arith.addi %rem3A, %select_n3A : i32
          %select_n3A_88 = arith.select %and3A_86, %add3A_87, %rem3A : i32
          %mul3A_89 = arith.constant 128 : i32
          %mul3A_90 = arith.muli %select_n3A_88, %mul3A_89 : i32
          %dma_wait3A_91 = arith.constant 0 : i32
          %dma_wait3A_92 = tpu.memref_slice %arg9[%mul3A_90, %dma_wait3A_91] : memref<256x64xf32, #tpu.memory_space<vmem>> -> memref<128x64xf32, #tpu.memory_space<vmem>>
          %dma_wait3A_93 = arith.constant 0 : i32
          %dma_wait3A_94 = tpu.memref_slice %arg8[%sub3A_76, %dma_wait3A_93] : memref<79x128xi32, #tpu.memory_space<vmem>> -> memref<1x128xi32, #tpu.memory_space<vmem>>
          %dma_wait3A_95 = tpu.memref_squeeze %dma_wait3A_94 : memref<1x128xi32, #tpu.memory_space<vmem>> -> memref<128xi32, #tpu.memory_space<vmem>>
          %dma_wait3A_96 = arith.constant 0 : i32
          %dma_wait3A_97 = arith.constant 0 : i32
          %dma_wait3A_98 = tpu.memref_slice %arg10[%dma_wait3A_96, %dma_wait3A_97] : memref<10240x64xf32, #tpu.memory_space<vmem_shared>> -> memref<10240x64xf32, #tpu.memory_space<vmem_shared>>
          tpu.wait_indirect_dma semaphore(%arg12 : memref<!tpu.dma_semaphore, #tpu.memory_space<semaphore_mem>>) src(%dma_wait3A_92 : memref<128x64xf32, #tpu.memory_space<vmem>>) dst(%dma_wait3A_98 : memref<10240x64xf32, #tpu.memory_space<vmem_shared>>)
        } else {
        }
        %lt3A_60 = arith.constant 79 : i32
        %lt3A_61 = arith.cmpi slt, %scan3A_53, %lt3A_60 : i32
        %convert_element_type3A_62 = arith.extui %lt3A_61 : i1 to i32
        %cond3A_63 = arith.constant 0 : i32
        %cond3A_64 = arith.cmpi ne, %convert_element_type3A_62, %cond3A_63 : i32
        scf.if %cond3A_64 {
          %jit3A = arith.constant 2 : i32
          %eq3A_75 = arith.constant 0 : i32
          %eq3A_76 = arith.cmpi eq, %jit3A, %eq3A_75 : i32
          %jit3A_77 = arith.constant 1 : i32
          %select_n3A = arith.select %eq3A_76, %jit3A_77, %jit3A : i32
          %rem3A = arith.remsi %scan3A_53, %select_n3A : i32
          %ne3A = arith.constant 0 : i32
          %ne3A_78 = arith.cmpi ne, %rem3A, %ne3A : i32
          %lt3A_79 = arith.constant 0 : i32
          %lt3A_80 = arith.cmpi slt, %rem3A, %lt3A_79 : i32
          %lt3A_81 = arith.constant 0 : i32
          %lt3A_82 = arith.cmpi slt, %select_n3A, %lt3A_81 : i32
          %ne3A_83 = arith.xori %lt3A_80, %lt3A_82 : i1
          %and3A_84 = arith.andi %ne3A_83, %ne3A_78 : i1
          %add3A_85 = arith.addi %rem3A, %select_n3A : i32
          %select_n3A_86 = arith.select %and3A_84, %add3A_85, %rem3A : i32
          %mul3A_87 = arith.constant 128 : i32
          %mul3A_88 = arith.muli %select_n3A_86, %mul3A_87 : i32
          %dma_start3A_89 = arith.constant 0 : i32
          %dma_start3A_90 = tpu.memref_slice %arg9[%mul3A_88, %dma_start3A_89] : memref<256x64xf32, #tpu.memory_space<vmem>> -> memref<128x64xf32, #tpu.memory_space<vmem>>
          %dma_start3A_91 = arith.constant 0 : i32
          %dma_start3A_92 = tpu.memref_slice %arg7[%scan3A_53, %dma_start3A_91] : memref<79x128xi32, #tpu.memory_space<vmem>> -> memref<1x128xi32, #tpu.memory_space<vmem>>
          %dma_start3A_93 = tpu.memref_squeeze %dma_start3A_92 : memref<1x128xi32, #tpu.memory_space<vmem>> -> memref<128xi32, #tpu.memory_space<vmem>>
          %dma_start3A_94 = arith.constant 0 : i32
          %dma_start3A_95 = arith.constant 0 : i32
          %dma_start3A_96 = tpu.memref_slice %arg2[%scan3A_38, %dma_start3A_94, %dma_start3A_95] : memref<2x10240x64xf32, #tpu.memory_space<hbm>> -> memref<1x10240x64xf32, #tpu.memory_space<hbm>>
          %dma_start3A_97 = tpu.memref_squeeze %dma_start3A_96 : memref<1x10240x64xf32, #tpu.memory_space<hbm>> -> memref<10240x64xf32, #tpu.memory_space<hbm>>
          %dma_start3A_98 = arith.constant 0 : i32
          %dma_start3A_99 = arith.constant 0 : i32
          %dma_start3A_100 = tpu.memref_slice %dma_start3A_97[%dma_start3A_98, %dma_start3A_99] : memref<10240x64xf32, #tpu.memory_space<hbm>> -> memref<10240x64xf32, #tpu.memory_space<hbm>>
          tpu.enqueue_indirect_dma source(%dma_start3A_100 : memref<10240x64xf32, #tpu.memory_space<hbm>>) target(%dma_start3A_90 : memref<128x64xf32, #tpu.memory_space<vmem>>) offsets(%dma_start3A_93 : memref<128xi32, #tpu.memory_space<vmem>>) semaphore(%arg11 : memref<!tpu.dma_semaphore, #tpu.memory_space<semaphore_mem>>)
        } else {
        }
        %ge3A_65 = arith.constant 1 : i32
        %ge3A_66 = arith.cmpi sge, %scan3A_53, %ge3A_65 : i32
        %sub3A_67 = arith.constant 1 : i32
        %sub3A_68 = arith.subi %scan3A_53, %sub3A_67 : i32
        %lt3A_69 = arith.constant 79 : i32
        %lt3A_70 = arith.cmpi slt, %sub3A_68, %lt3A_69 : i32
        %and3A_71 = arith.andi %ge3A_66, %lt3A_70 : i1
        %convert_element_type3A_72 = arith.extui %and3A_71 : i1 to i32
        %cond3A_73 = arith.constant 0 : i32
        %cond3A_74 = arith.cmpi ne, %convert_element_type3A_72, %cond3A_73 : i32
        scf.if %cond3A_74 {
          %sub3A_75 = arith.constant 1 : i32
          %sub3A_76 = arith.subi %scan3A_53, %sub3A_75 : i32
          %jit3A = arith.constant 2 : i32
          %eq3A_77 = arith.constant 0 : i32
          %eq3A_78 = arith.cmpi eq, %jit3A, %eq3A_77 : i32
          %jit3A_79 = arith.constant 1 : i32
          %select_n3A = arith.select %eq3A_78, %jit3A_79, %jit3A : i32
          %rem3A = arith.remsi %sub3A_76, %select_n3A : i32
          %ne3A = arith.constant 0 : i32
          %ne3A_80 = arith.cmpi ne, %rem3A, %ne3A : i32
          %lt3A_81 = arith.constant 0 : i32
          %lt3A_82 = arith.cmpi slt, %rem3A, %lt3A_81 : i32
          %lt3A_83 = arith.constant 0 : i32
          %lt3A_84 = arith.cmpi slt, %select_n3A, %lt3A_83 : i32
          %ne3A_85 = arith.xori %lt3A_82, %lt3A_84 : i1
          %and3A_86 = arith.andi %ne3A_85, %ne3A_80 : i1
          %add3A_87 = arith.addi %rem3A, %select_n3A : i32
          %select_n3A_88 = arith.select %and3A_86, %add3A_87, %rem3A : i32
          %mul3A_89 = arith.constant 128 : i32
          %mul3A_90 = arith.muli %select_n3A_88, %mul3A_89 : i32
          %dma_wait3A_91 = arith.constant 0 : i32
          %dma_wait3A_92 = tpu.memref_slice %arg9[%mul3A_90, %dma_wait3A_91] : memref<256x64xf32, #tpu.memory_space<vmem>> -> memref<128x64xf32, #tpu.memory_space<vmem>>
          %dma_wait3A_93 = arith.constant 0 : i32
          %dma_wait3A_94 = tpu.memref_slice %arg7[%sub3A_76, %dma_wait3A_93] : memref<79x128xi32, #tpu.memory_space<vmem>> -> memref<1x128xi32, #tpu.memory_space<vmem>>
          %dma_wait3A_95 = tpu.memref_squeeze %dma_wait3A_94 : memref<1x128xi32, #tpu.memory_space<vmem>> -> memref<128xi32, #tpu.memory_space<vmem>>
          %dma_wait3A_96 = arith.constant 0 : i32
          %dma_wait3A_97 = arith.constant 0 : i32
          %dma_wait3A_98 = tpu.memref_slice %arg2[%scan3A_38, %dma_wait3A_96, %dma_wait3A_97] : memref<2x10240x64xf32, #tpu.memory_space<hbm>> -> memref<1x10240x64xf32, #tpu.memory_space<hbm>>
          %dma_wait3A_99 = tpu.memref_squeeze %dma_wait3A_98 : memref<1x10240x64xf32, #tpu.memory_space<hbm>> -> memref<10240x64xf32, #tpu.memory_space<hbm>>
          %dma_wait3A_100 = arith.constant 0 : i32
          %dma_wait3A_101 = arith.constant 0 : i32
          %dma_wait3A_102 = tpu.memref_slice %dma_wait3A_99[%dma_wait3A_100, %dma_wait3A_101] : memref<10240x64xf32, #tpu.memory_space<hbm>> -> memref<10240x64xf32, #tpu.memory_space<hbm>>
          tpu.wait_indirect_dma semaphore(%arg11 : memref<!tpu.dma_semaphore, #tpu.memory_space<semaphore_mem>>) src(%dma_wait3A_102 : memref<10240x64xf32, #tpu.memory_space<hbm>>) dst(%dma_wait3A_92 : memref<128x64xf32, #tpu.memory_space<vmem>>)
          %sub3A_103 = arith.constant 1 : i32
          %sub3A_104 = arith.subi %scan3A_53, %sub3A_103 : i32
          %jit3A_105 = arith.constant 2 : i32
          %eq3A_106 = arith.constant 0 : i32
          %eq3A_107 = arith.cmpi eq, %jit3A_105, %eq3A_106 : i32
          %jit3A_108 = arith.constant 1 : i32
          %select_n3A_109 = arith.select %eq3A_107, %jit3A_108, %jit3A_105 : i32
          %rem3A_110 = arith.remsi %sub3A_104, %select_n3A_109 : i32
          %ne3A_111 = arith.constant 0 : i32
          %ne3A_112 = arith.cmpi ne, %rem3A_110, %ne3A_111 : i32
          %lt3A_113 = arith.constant 0 : i32
          %lt3A_114 = arith.cmpi slt, %rem3A_110, %lt3A_113 : i32
          %lt3A_115 = arith.constant 0 : i32
          %lt3A_116 = arith.cmpi slt, %select_n3A_109, %lt3A_115 : i32
          %ne3A_117 = arith.xori %lt3A_114, %lt3A_116 : i1
          %and3A_118 = arith.andi %ne3A_117, %ne3A_112 : i1
          %add3A_119 = arith.addi %rem3A_110, %select_n3A_109 : i32
          %select_n3A_120 = arith.select %and3A_118, %add3A_119, %rem3A_110 : i32
          %mul3A_121 = arith.constant 128 : i32
          %mul3A_122 = arith.muli %select_n3A_120, %mul3A_121 : i32
          %dma_start3A_123 = arith.constant 0 : i32
          %dma_start3A_124 = tpu.memref_slice %arg9[%mul3A_122, %dma_start3A_123] : memref<256x64xf32, #tpu.memory_space<vmem>> -> memref<128x64xf32, #tpu.memory_space<vmem>>
          %dma_start3A_125 = arith.constant 0 : i32
          %dma_start3A_126 = tpu.memref_slice %arg8[%sub3A_104, %dma_start3A_125] : memref<79x128xi32, #tpu.memory_space<vmem>> -> memref<1x128xi32, #tpu.memory_space<vmem>>
          %dma_start3A_127 = tpu.memref_squeeze %dma_start3A_126 : memref<1x128xi32, #tpu.memory_space<vmem>> -> memref<128xi32, #tpu.memory_space<vmem>>
          %dma_start3A_128 = arith.constant 0 : i32
          %dma_start3A_129 = arith.constant 0 : i32
          %dma_start3A_130 = tpu.memref_slice %arg10[%dma_start3A_128, %dma_start3A_129] : memref<10240x64xf32, #tpu.memory_space<vmem_shared>> -> memref<10240x64xf32, #tpu.memory_space<vmem_shared>>
          tpu.enqueue_indirect_dma source(%dma_start3A_124 : memref<128x64xf32, #tpu.memory_space<vmem>>) target(%dma_start3A_130 : memref<10240x64xf32, #tpu.memory_space<vmem_shared>>) offsets(%dma_start3A_127 : memref<128xi32, #tpu.memory_space<vmem>>) semaphore(%arg12 : memref<!tpu.dma_semaphore, #tpu.memory_space<semaphore_mem>>) {add = true}
        } else {
        }
      }
      %scan3A_51 = arith.constant 81 : i32
      %barrier3A_52 = arith.constant 0 : index
      tpu.barrier barrier_id(%barrier3A_52)
      "tpu.region"() ({
        %run_scoped3A = tpu.sem_alloc : memref<!tpu.dma_semaphore, #tpu.memory_space<semaphore_mem>>
        %dma_start3A_53 = arith.constant 0 : i32
        %dma_start3A_54 = tpu.memref_slice %arg6[%arg0, %scan3A_38, %mul3A_2, %dma_start3A_53] : memref<2x2x10240x64xf32, #tpu.memory_space<hbm>> -> memref<1x1x640x64xf32, #tpu.memory_space<hbm>>
        %dma_start3A_55 = tpu.memref_squeeze %dma_start3A_54 : memref<1x1x640x64xf32, #tpu.memory_space<hbm>> -> memref<640x64xf32, #tpu.memory_space<hbm>>
        %dma_start3A_56 = arith.constant 0 : i32
        %dma_start3A_57 = tpu.memref_slice %arg10[%mul3A_2, %dma_start3A_56] : memref<10240x64xf32, #tpu.memory_space<vmem_shared>> -> memref<640x64xf32, #tpu.memory_space<vmem_shared>>
        tpu.enqueue_dma source(%dma_start3A_57 : memref<640x64xf32, #tpu.memory_space<vmem_shared>>) target(%dma_start3A_55 : memref<640x64xf32, #tpu.memory_space<hbm>>) target_semaphore(%run_scoped3A : memref<!tpu.dma_semaphore, #tpu.memory_space<semaphore_mem>>)
        %dma_wait3A_58 = arith.constant 0 : i32
        %dma_wait3A_59 = tpu.memref_slice %arg6[%arg0, %scan3A_38, %mul3A_2, %dma_wait3A_58] : memref<2x2x10240x64xf32, #tpu.memory_space<hbm>> -> memref<1x1x640x64xf32, #tpu.memory_space<hbm>>
        %dma_wait3A_60 = tpu.memref_squeeze %dma_wait3A_59 : memref<1x1x640x64xf32, #tpu.memory_space<hbm>> -> memref<640x64xf32, #tpu.memory_space<hbm>>
        %dma_wait3A_61 = arith.constant 0 : i32
        %dma_wait3A_62 = tpu.memref_slice %arg10[%mul3A_2, %dma_wait3A_61] : memref<10240x64xf32, #tpu.memory_space<vmem_shared>> -> memref<640x64xf32, #tpu.memory_space<vmem_shared>>
        tpu.wait_dma2 semaphore(%run_scoped3A : memref<!tpu.dma_semaphore, #tpu.memory_space<semaphore_mem>>) src(%dma_wait3A_62 : memref<640x64xf32, #tpu.memory_space<vmem_shared>>) dst(%dma_wait3A_60 : memref<640x64xf32, #tpu.memory_space<hbm>>)
        tpu.yield
      }) : () -> ()
    }
    %scan3A_37 = arith.constant 2 : i32
    return
  }
}

module attributes {stable_mosaic.version = 14 : i64} {
  func.func @_mm1_body(%arg0: i32, %arg1: memref<1024x128xf32, #tpu.memory_space<vmem>>, %arg2: memref<128x128xf32, #tpu.memory_space<vmem>>, %arg3: memref<32x1024xf32, #tpu.memory_space<vmem>>, %arg4: memref<2x1024x64xf32, #tpu.memory_space<vmem>>) attributes {dimension_semantics = [#tpu.dimension_semantics<arbitrary>], iteration_bounds = array<i64: 10>, scalar_prefetch = 0 : i64, scratch_operands = 0 : i64, tpu.core_type = #tpu.core_type<tc>, window_params = [{transform_indices = @transform_0, window_bounds = array<i64: 1024, 128>}, {pipeline_mode = #tpu.pipeline_mode<synchronous>, transform_indices = @transform_1, window_bounds = array<i64: 128, 128>}, {transform_indices = @transform_2, window_bounds = array<i64: 32, 1024>}, {transform_indices = @transform_3, window_bounds = array<i64: 2, 1024, 64>}]} {
    %get3A = arith.constant 0 : index
    %get3A_0 = arith.constant 0 : index
    %get3A_1 = vector.load %arg3[%get3A, %get3A_0] : memref<32x1024xf32, #tpu.memory_space<vmem>>, vector<32x1024xf32>
    %reduce_sum3A = arith.constant dense<0.000000e+00> : vector<1024xf32>
    %reduce_sum3A_2 = vector.multi_reduction <add>, %get3A_1, %reduce_sum3A [0] : vector<32x1024xf32> to vector<1024xf32>
    %add3A = arith.constant 1.000000e+00 : f32
    %add3A_3 = vector.broadcast %add3A : f32 to vector<1024xf32>
    %add3A_4 = arith.addf %reduce_sum3A_2, %add3A_3 : vector<1024xf32>
    %rsqrt3A = math.rsqrt %add3A_4 : vector<1024xf32>
    %get3A_5 = arith.constant 0 : index
    %get3A_6 = arith.constant 0 : index
    %get3A_7 = vector.load %arg1[%get3A_5, %get3A_6] : memref<1024x128xf32, #tpu.memory_space<vmem>>, vector<1024x128xf32>
    %get3A_8 = arith.constant 0 : index
    %get3A_9 = arith.constant 0 : index
    %get3A_10 = vector.load %arg2[%get3A_8, %get3A_9] : memref<128x128xf32, #tpu.memory_space<vmem>>, vector<128x128xf32>
    %dot_general3A = arith.constant dense<0.000000e+00> : vector<1024x128xf32>
    %dot_general3A_11 = tpu.matmul %get3A_7, %get3A_10, %dot_general3A {dimension_numbers = #tpu.dot_dimension_numbers<[1], [0], [0], [1], [0, 0, 1, 1], [], []>, transpose_lhs_hint = false} : vector<1024x128xf32>, vector<128x128xf32>, vector<1024x128xf32> -> vector<1024x128xf32>
    %broadcast_in_dim3A = vector.shape_cast %rsqrt3A : vector<1024xf32> to vector<1024x1xf32>
    %mul3A = vector.broadcast %broadcast_in_dim3A : vector<1024x1xf32> to vector<1024x128xf32>
    %mul3A_12 = arith.mulf %dot_general3A_11, %mul3A : vector<1024x128xf32>
    %slice3A = vector.extract_strided_slice %mul3A_12 {offsets = [0, 0], sizes = [1024, 64], strides = [1, 1]} : vector<1024x128xf32> to vector<1024x64xf32>
    %swap3A = arith.constant 0 : index
    %swap3A_13 = arith.constant 0 : index
    %swap3A_14 = arith.constant 0 : index
    %swap3A_15 = vector.load %arg4[%swap3A, %swap3A_13, %swap3A_14] : memref<2x1024x64xf32, #tpu.memory_space<vmem>>, vector<1x1024x64xf32>
    %swap3A_16 = vector.shape_cast %swap3A_15 : vector<1x1024x64xf32> to vector<1024x64xf32>
    %swap3A_17 = vector.shape_cast %slice3A : vector<1024x64xf32> to vector<1x1024x64xf32>
    tpu.vector_store %arg4[%swap3A, %swap3A_13, %swap3A_14], %swap3A_17 {strides = array<i32>} : memref<2x1024x64xf32, #tpu.memory_space<vmem>>, vector<1x1024x64xf32>,
    %slice3A_18 = vector.extract_strided_slice %mul3A_12 {offsets = [0, 64], sizes = [1024, 64], strides = [1, 1]} : vector<1024x128xf32> to vector<1024x64xf32>
    %swap3A_19 = arith.constant 1 : index
    %swap3A_20 = arith.constant 0 : index
    %swap3A_21 = arith.constant 0 : index
    %swap3A_22 = vector.load %arg4[%swap3A_19, %swap3A_20, %swap3A_21] : memref<2x1024x64xf32, #tpu.memory_space<vmem>>, vector<1x1024x64xf32>
    %swap3A_23 = vector.shape_cast %swap3A_22 : vector<1x1024x64xf32> to vector<1024x64xf32>
    %swap3A_24 = vector.shape_cast %slice3A_18 : vector<1024x64xf32> to vector<1x1024x64xf32>
    tpu.vector_store %arg4[%swap3A_19, %swap3A_20, %swap3A_21], %swap3A_24 {strides = array<i32>} : memref<2x1024x64xf32, #tpu.memory_space<vmem>>, vector<1x1024x64xf32>,
    return
  }
  func.func @transform_0(%arg0: i32) -> (i32, i32) {
    %c0_i32 = arith.constant 0 : i32
    %c0_i32_0 = arith.constant 0 : i32
    return %arg0, %c0_i32 : i32, i32
  }
  func.func @transform_1(%arg0: i32) -> (i32, i32) {
    %c0_i32 = arith.constant 0 : i32
    %c0_i32_0 = arith.constant 0 : i32
    %c0_i32_1 = arith.constant 0 : i32
    return %c0_i32, %c0_i32_0 : i32, i32
  }
  func.func @transform_2(%arg0: i32) -> (i32, i32) {
    %c0_i32 = arith.constant 0 : i32
    %c0_i32_0 = arith.constant 0 : i32
    return %c0_i32, %arg0 : i32, i32
  }
  func.func @transform_3(%arg0: i32) -> (i32, i32, i32) {
    %c0_i32 = arith.constant 0 : i32
    %c0_i32_0 = arith.constant 0 : i32
    %c0_i32_1 = arith.constant 0 : i32
    return %c0_i32, %arg0, %c0_i32_0 : i32, i32, i32
  }
}

module attributes {stable_mosaic.version = 14 : i64} {
  func.func @_mid_body(%arg0: i32, %arg1: memref<2x2x1024x64xf32, #tpu.memory_space<vmem>>, %arg2: memref<32x1024xf32, #tpu.memory_space<vmem>>, %arg3: memref<128xf32, #tpu.memory_space<vmem>>, %arg4: memref<128xf32, #tpu.memory_space<vmem>>, %arg5: memref<1024xf32, #tpu.memory_space<vmem>>) attributes {dimension_semantics = [#tpu.dimension_semantics<arbitrary>], iteration_bounds = array<i64: 10>, scalar_prefetch = 0 : i64, scratch_operands = 0 : i64, tpu.core_type = #tpu.core_type<tc>, window_params = [{transform_indices = @transform_0, window_bounds = array<i64: 2, 2, 1024, 64>}, {transform_indices = @transform_1, window_bounds = array<i64: 32, 1024>}, {pipeline_mode = #tpu.pipeline_mode<synchronous>, transform_indices = @transform_2, window_bounds = array<i64: 128>}, {pipeline_mode = #tpu.pipeline_mode<synchronous>, transform_indices = @transform_3, window_bounds = array<i64: 128>}, {transform_indices = @transform_4, window_bounds = array<i64: 1024>}]} {
    %get3A = arith.constant 0 : index
    %get3A_0 = arith.constant 0 : index
    %get3A_1 = vector.load %arg2[%get3A, %get3A_0] : memref<32x1024xf32, #tpu.memory_space<vmem>>, vector<32x1024xf32>
    %reduce_sum3A = arith.constant dense<0.000000e+00> : vector<1024xf32>
    %reduce_sum3A_2 = vector.multi_reduction <add>, %get3A_1, %reduce_sum3A [0] : vector<32x1024xf32> to vector<1024xf32>
    %add3A = arith.constant 1.000000e+00 : f32
    %add3A_3 = vector.broadcast %add3A : f32 to vector<1024xf32>
    %add3A_4 = arith.addf %reduce_sum3A_2, %add3A_3 : vector<1024xf32>
    %rsqrt3A = math.rsqrt %add3A_4 : vector<1024xf32>
    %get3A_5 = arith.constant 0 : index
    %get3A_6 = vector.load %arg3[%get3A_5] : memref<128xf32, #tpu.memory_space<vmem>>, vector<128xf32>
    %get3A_7 = arith.constant 0 : index
    %get3A_8 = vector.load %arg4[%get3A_7] : memref<128xf32, #tpu.memory_space<vmem>>, vector<128xf32>
    %broadcast_in_dim3A = arith.constant 0.000000e+00 : f32
    %broadcast_in_dim3A_9 = vector.broadcast %broadcast_in_dim3A : f32 to vector<1024xf32>
    %get3A_10 = arith.constant 0 : index
    %get3A_11 = arith.constant 0 : index
    %get3A_12 = arith.constant 0 : index
    %get3A_13 = arith.constant 0 : index
    %get3A_14 = vector.load %arg1[%get3A_10, %get3A_11, %get3A_12, %get3A_13] : memref<2x2x1024x64xf32, #tpu.memory_space<vmem>>, vector<1x1x1024x64xf32>
    %get3A_15 = vector.shape_cast %get3A_14 : vector<1x1x1024x64xf32> to vector<1024x64xf32>
    %get3A_16 = arith.constant 1 : index
    %get3A_17 = arith.constant 0 : index
    %get3A_18 = arith.constant 0 : index
    %get3A_19 = arith.constant 0 : index
    %get3A_20 = vector.load %arg1[%get3A_16, %get3A_17, %get3A_18, %get3A_19] : memref<2x2x1024x64xf32, #tpu.memory_space<vmem>>, vector<1x1x1024x64xf32>
    %get3A_21 = vector.shape_cast %get3A_20 : vector<1x1x1024x64xf32> to vector<1024x64xf32>
    %add3A_22 = arith.addf %get3A_15, %get3A_21 : vector<1024x64xf32>
    %broadcast_in_dim3A_23 = vector.shape_cast %rsqrt3A : vector<1024xf32> to vector<1024x1xf32>
    %mul3A = vector.broadcast %broadcast_in_dim3A_23 : vector<1024x1xf32> to vector<1024x64xf32>
    %mul3A_24 = arith.mulf %add3A_22, %mul3A : vector<1024x64xf32>
    %slice3A = vector.extract_strided_slice %get3A_6 {offsets = [0], sizes = [64], strides = [1]} : vector<128xf32> to vector<64xf32>
    %broadcast_in_dim3A_25 = vector.shape_cast %slice3A : vector<64xf32> to vector<1x64xf32>
    %add3A_26 = vector.broadcast %broadcast_in_dim3A_25 : vector<1x64xf32> to vector<1024x64xf32>
    %add3A_27 = arith.addf %mul3A_24, %add3A_26 : vector<1024x64xf32>
    %max3A = arith.constant 0.000000e+00 : f32
    %max3A_28 = vector.broadcast %max3A : f32 to vector<1024x64xf32>
    %max3A_29 = arith.maximumf %add3A_27, %max3A_28 : vector<1024x64xf32>
    %slice3A_30 = vector.extract_strided_slice %get3A_8 {offsets = [0], sizes = [64], strides = [1]} : vector<128xf32> to vector<64xf32>
    %broadcast_in_dim3A_31 = vector.shape_cast %slice3A_30 : vector<64xf32> to vector<1x64xf32>
    %mul3A_32 = vector.broadcast %broadcast_in_dim3A_31 : vector<1x64xf32> to vector<1024x64xf32>
    %mul3A_33 = arith.mulf %max3A_29, %mul3A_32 : vector<1024x64xf32>
    %reduce_sum3A_34 = arith.constant dense<0.000000e+00> : vector<1024xf32>
    %reduce_sum3A_35 = vector.multi_reduction <add>, %mul3A_33, %reduce_sum3A_34 [1] : vector<1024x64xf32> to vector<1024xf32>
    %add3A_36 = arith.addf %broadcast_in_dim3A_9, %reduce_sum3A_35 : vector<1024xf32>
    %get3A_37 = arith.constant 0 : index
    %get3A_38 = arith.constant 1 : index
    %get3A_39 = arith.constant 0 : index
    %get3A_40 = arith.constant 0 : index
    %get3A_41 = vector.load %arg1[%get3A_37, %get3A_38, %get3A_39, %get3A_40] : memref<2x2x1024x64xf32, #tpu.memory_space<vmem>>, vector<1x1x1024x64xf32>
    %get3A_42 = vector.shape_cast %get3A_41 : vector<1x1x1024x64xf32> to vector<1024x64xf32>
    %get3A_43 = arith.constant 1 : index
    %get3A_44 = arith.constant 1 : index
    %get3A_45 = arith.constant 0 : index
    %get3A_46 = arith.constant 0 : index
    %get3A_47 = vector.load %arg1[%get3A_43, %get3A_44, %get3A_45, %get3A_46] : memref<2x2x1024x64xf32, #tpu.memory_space<vmem>>, vector<1x1x1024x64xf32>
    %get3A_48 = vector.shape_cast %get3A_47 : vector<1x1x1024x64xf32> to vector<1024x64xf32>
    %add3A_49 = arith.addf %get3A_42, %get3A_48 : vector<1024x64xf32>
    %broadcast_in_dim3A_50 = vector.shape_cast %rsqrt3A : vector<1024xf32> to vector<1024x1xf32>
    %mul3A_51 = vector.broadcast %broadcast_in_dim3A_50 : vector<1024x1xf32> to vector<1024x64xf32>
    %mul3A_52 = arith.mulf %add3A_49, %mul3A_51 : vector<1024x64xf32>
    %slice3A_53 = vector.extract_strided_slice %get3A_6 {offsets = [64], sizes = [64], strides = [1]} : vector<128xf32> to vector<64xf32>
    %broadcast_in_dim3A_54 = vector.shape_cast %slice3A_53 : vector<64xf32> to vector<1x64xf32>
    %add3A_55 = vector.broadcast %broadcast_in_dim3A_54 : vector<1x64xf32> to vector<1024x64xf32>
    %add3A_56 = arith.addf %mul3A_52, %add3A_55 : vector<1024x64xf32>
    %max3A_57 = arith.constant 0.000000e+00 : f32
    %max3A_58 = vector.broadcast %max3A_57 : f32 to vector<1024x64xf32>
    %max3A_59 = arith.maximumf %add3A_56, %max3A_58 : vector<1024x64xf32>
    %slice3A_60 = vector.extract_strided_slice %get3A_8 {offsets = [64], sizes = [64], strides = [1]} : vector<128xf32> to vector<64xf32>
    %broadcast_in_dim3A_61 = vector.shape_cast %slice3A_60 : vector<64xf32> to vector<1x64xf32>
    %mul3A_62 = vector.broadcast %broadcast_in_dim3A_61 : vector<1x64xf32> to vector<1024x64xf32>
    %mul3A_63 = arith.mulf %max3A_59, %mul3A_62 : vector<1024x64xf32>
    %reduce_sum3A_64 = arith.constant dense<0.000000e+00> : vector<1024xf32>
    %reduce_sum3A_65 = vector.multi_reduction <add>, %mul3A_63, %reduce_sum3A_64 [1] : vector<1024x64xf32> to vector<1024xf32>
    %add3A_66 = arith.addf %add3A_36, %reduce_sum3A_65 : vector<1024xf32>
    %mul3A_67 = arith.mulf %rsqrt3A, %add3A_66 : vector<1024xf32>
    %iota3A = tpu.iota {dimensions = array<i32: 0>} : vector<1024x1xi32>
    %squeeze3A = vector.shape_cast %iota3A : vector<1024x1xi32> to vector<1024xi32>
    %mul3A_68 = arith.constant 1024 : i32
    %mul3A_69 = arith.muli %arg0, %mul3A_68 : i32
    %add3A_70 = vector.broadcast %mul3A_69 : i32 to vector<1024xi32>
    %add3A_71 = arith.addi %squeeze3A, %add3A_70 : vector<1024xi32>
    %lt3A = arith.constant 10000 : i32
    %lt3A_72 = vector.broadcast %lt3A : i32 to vector<1024xi32>
    %lt3A_73 = arith.cmpi slt, %add3A_71, %lt3A_72 : vector<1024xi32>
    %jit3A = arith.constant 0.000000e+00 : f32
    %broadcast_in_dim3A_74 = vector.broadcast %jit3A : f32 to vector<1024xf32>
    %select_n3A = arith.select %lt3A_73, %mul3A_67, %broadcast_in_dim3A_74 : vector<1024xi1>, vector<1024xf32>
    %swap3A = arith.constant 0 : index
    %swap3A_75 = vector.load %arg5[%swap3A] : memref<1024xf32, #tpu.memory_space<vmem>>, vector<1024xf32>
    tpu.vector_store %arg5[%swap3A], %select_n3A {strides = array<i32>} : memref<1024xf32, #tpu.memory_space<vmem>>, vector<1024xf32>,
    return
  }
  func.func @transform_0(%arg0: i32) -> (i32, i32, i32, i32) {
    %c0_i32 = arith.constant 0 : i32
    %c0_i32_0 = arith.constant 0 : i32
    %c0_i32_1 = arith.constant 0 : i32
    %c0_i32_2 = arith.constant 0 : i32
    return %c0_i32, %c0_i32_0, %arg0, %c0_i32_1 : i32, i32, i32, i32
  }
  func.func @transform_1(%arg0: i32) -> (i32, i32) {
    %c0_i32 = arith.constant 0 : i32
    %c0_i32_0 = arith.constant 0 : i32
    return %c0_i32, %arg0 : i32, i32
  }
  func.func @transform_2(%arg0: i32) -> i32 {
    %c0_i32 = arith.constant 0 : i32
    %c0_i32_0 = arith.constant 0 : i32
    return %c0_i32 : i32
  }
  func.func @transform_3(%arg0: i32) -> i32 {
    %c0_i32 = arith.constant 0 : i32
    %c0_i32_0 = arith.constant 0 : i32
    return %c0_i32 : i32
  }
  func.func @transform_4(%arg0: i32) -> i32 {
    %c0_i32 = arith.constant 0 : i32
    return %arg0 : i32
  }
}

module attributes {stable_mosaic.version = 14 : i64} {
  func.func @_fin_body(%arg0: i32, %arg1: memref<32x1024xf32, #tpu.memory_space<vmem>>, %arg2: memref<1024xf32, #tpu.memory_space<vmem>>, %arg3: memref<32x1024xf32, #tpu.memory_space<vmem>>, %arg4: memref<1xf32, #tpu.memory_space<smem>>, %arg5: memref<1024xf32, #tpu.memory_space<vmem>>) attributes {dimension_semantics = [#tpu.dimension_semantics<arbitrary>], iteration_bounds = array<i64: 10>, scalar_prefetch = 0 : i64, scratch_operands = 0 : i64, tpu.core_type = #tpu.core_type<tc>, window_params = [{transform_indices = @transform_0, window_bounds = array<i64: 32, 1024>}, {transform_indices = @transform_1, window_bounds = array<i64: 1024>}, {transform_indices = @transform_2, window_bounds = array<i64: 32, 1024>}, {transform_indices = @transform_3, window_bounds = array<i64: 1>}, {transform_indices = @transform_4, window_bounds = array<i64: 1024>}]} {
    %get3A = arith.constant 0 : index
    %get3A_0 = arith.constant 0 : index
    %get3A_1 = vector.load %arg3[%get3A, %get3A_0] : memref<32x1024xf32, #tpu.memory_space<vmem>>, vector<32x1024xf32>
    %reduce_sum3A = arith.constant dense<0.000000e+00> : vector<1024xf32>
    %reduce_sum3A_2 = vector.multi_reduction <add>, %get3A_1, %reduce_sum3A [0] : vector<32x1024xf32> to vector<1024xf32>
    %add3A = arith.constant 1.000000e+00 : f32
    %add3A_3 = vector.broadcast %add3A : f32 to vector<1024xf32>
    %add3A_4 = arith.addf %reduce_sum3A_2, %add3A_3 : vector<1024xf32>
    %rsqrt3A = math.rsqrt %add3A_4 : vector<1024xf32>
    %get3A_5 = arith.constant 0 : index
    %get3A_6 = arith.constant 0 : index
    %get3A_7 = vector.load %arg1[%get3A_5, %get3A_6] : memref<32x1024xf32, #tpu.memory_space<vmem>>, vector<32x1024xf32>
    %reduce_sum3A_8 = arith.constant dense<0.000000e+00> : vector<1024xf32>
    %reduce_sum3A_9 = vector.multi_reduction <add>, %get3A_7, %reduce_sum3A_8 [0] : vector<32x1024xf32> to vector<1024xf32>
    %get3A_10 = arith.constant 0 : index
    %get3A_11 = vector.load %arg2[%get3A_10] : memref<1024xf32, #tpu.memory_space<vmem>>, vector<1024xf32>
    %add3A_12 = arith.addf %reduce_sum3A_9, %get3A_11 : vector<1024xf32>
    %mul3A = arith.mulf %rsqrt3A, %add3A_12 : vector<1024xf32>
    %get3A_13 = arith.constant 0 : index
    %get3A_14 = memref.load %arg4[%get3A_13] : memref<1xf32, #tpu.memory_space<smem>>
    %add3A_15 = vector.broadcast %get3A_14 : f32 to vector<1024xf32>
    %add3A_16 = arith.addf %mul3A, %add3A_15 : vector<1024xf32>
    %logistic3A = arith.negf %add3A_16 : vector<1024xf32>
    %logistic3A_17 = math.exp %logistic3A : vector<1024xf32>
    %logistic3A_18 = arith.constant 1.000000e+00 : f32
    %logistic3A_19 = vector.broadcast %logistic3A_18 : f32 to vector<1024xf32>
    %logistic3A_20 = arith.addf %logistic3A_19, %logistic3A_17 : vector<1024xf32>
    %logistic3A_21 = arith.divf %logistic3A_19, %logistic3A_20 : vector<1024xf32>
    %swap3A = arith.constant 0 : index
    %swap3A_22 = vector.load %arg5[%swap3A] : memref<1024xf32, #tpu.memory_space<vmem>>, vector<1024xf32>
    tpu.vector_store %arg5[%swap3A], %logistic3A_21 {strides = array<i32>} : memref<1024xf32, #tpu.memory_space<vmem>>, vector<1024xf32>,
    return
  }
  func.func @transform_0(%arg0: i32) -> (i32, i32) {
    %c0_i32 = arith.constant 0 : i32
    %c0_i32_0 = arith.constant 0 : i32
    return %c0_i32, %arg0 : i32, i32
  }
  func.func @transform_1(%arg0: i32) -> i32 {
    %c0_i32 = arith.constant 0 : i32
    return %arg0 : i32
  }
  func.func @transform_2(%arg0: i32) -> (i32, i32) {
    %c0_i32 = arith.constant 0 : i32
    %c0_i32_0 = arith.constant 0 : i32
    return %c0_i32, %arg0 : i32, i32
  }
  func.func @transform_3(%arg0: i32) -> i32 {
    %c0_i32 = arith.constant 0 : i32
    %c0_i32_0 = arith.constant 0 : i32
    return %c0_i32 : i32
  }
  func.func @transform_4(%arg0: i32) -> i32 {
    %c0_i32 = arith.constant 0 : i32
    return %arg0 : i32
  }
}

</mosaic_0001>

<sc_bundles>
// kernel: kernel.11.cloned.1.call-start
scs
__scs_entry_jumppad:
0x0: {  	(pc) =	sbr.rel $0x88, $3  }
0x1: {  	(tag) =	ssettag $0x0;
	lr =	simm.s32 $0x1  }
0x2: {  	[smem:$0x3F9B] =	sst lr;
	_ =	strace $0xD0000000  }
0x3: {  	_ = 	snop  }
0x4: {  	_ = 	snop  }
0x5: {  	_ = 	snop  }
0x6: {  	_ = 	snop  }
0x7: {  	_ = 	snop  }
__scs_overlays_trampoline_lowered:
0x8: {  	[smem:$0x3FAA] =	sst s0  }
0x9: {  	[smem:$0x3FAB] =	sst s1  }
0xa: {  	[smem:$0x3FAC] =	sst s2  }
0xb: {  	[smem:$0x3FAD] =	sst s3  }
0xc: {  	[smem:$0x3FAE] =	sst s4  }
0xd: {  	[smem:$0x3FAF] =	sst s5  }
0xe: {  	[smem:$0x3FB0] =	sst s6  }
0xf: {  	[smem:$0x3FB1] =	sst s7  }
0x10: {  	[smem:$0x3FB2] =	sst s8  }
0x11: {  	[smem:$0x3FB3] =	sst s9;
	s0 =	simm.s32 @!p0 $0x0  }
0x12: {  	s1 =	sld [smem:$0x3F99];
	s0 =	simm.s32 @p0 $0x1  }
0x13: {  	[smem:$0x3FB4] =	sst s0;
	s0 =	simm.s32 @!p1 $0x0  }
0x14: {  	s2 =	sld [smem:$0x3F98];
	s0 =	simm.s32 @p1 $0x1  }
0x15: {  	[smem:$0x3FB5] =	sst s0;
	s0 =	simm.s32 @!p2 $0x0  }
0x16: {  	s3 =	sld [smem:$0x3FDB];
	s0 =	simm.s32 @p2 $0x1  }
0x17: {  	s4 =	simm.s32 $0x1BF5;
	[smem:$0x3FB7] =	sst s0  }
0x18: {  	s0 =	sld [smem:$0x3F9A];
	_ =	swait.ge [sflag:s4], $0x0  }
0x19: {  	s7 =	sld [smem:$0x3F9B]  }
0x1a: {  	s8 =	sadd.s32 $0xFFFFE003, lr  }
0x1b: {  	s9 =	sadd.s32 $0xFFFFFEF7, lr;
	s5 =	simm.s32 $0xFFFFFFFF;
	p2 =	slt.u32 s8, $0xFFFFF086  }
0x1c: {  	p1 =	slt.u32 s9, $0xF7A;
	s5 =	simm.s32 @!p2 $0x0  }
0x1d: {  	s5 =	simm.s32 @p1 $0x1;
	p0 =	seq.s32 s7, s2  }
0x1e: {  	s7 =	smul.u32 @!p0 $0xF7A, s2;
	p2 =	seq.s32 @!p0 s5, $0x0  }
0x1f: {  	s9 =	smul.u32 $0xF7A, s1;
	s8 =	simm.s32 @!p0 $0x1BF5;
	p2 =	por !p2, p0  }
0x20: {  	[sflag:s8] =	ssyncset.s32 @!p0 $0xFFFFF086;
	s6 =	sadd.s32 @!p0 s3, s7;
	s7 =	simm.s32 @!p0 $0x108  }
0x21: {  	s3 =	sadd.s32 s3, s9;
	s6 =	sadd.s32 @!p0 $0x88, s6;
	s7 =	simm.s32 @p2 $0x1082  }
0x22: {  	[simem:s7], [sflag:s8] =	dma.local @!p0 [hbm:s6], $0xF7A  }
0x23: {  	s9 =	sor.u32 $0xD0000000, s2;
	s6 =	simm.s32 $0x108;
	_ =	swait.ge @!p0 [sflag:s8], $0x0  }
0x24: {  	s3 =	sadd.s32 $0x88, s3;
	s6 =	simm.s32 @!p1 $0x1082;
	[sflag:s4] =	ssyncset.s32 $0xFFFFF086  }
0x25: {  	[simem:s6], [sflag:s4] =	dma.local [hbm:s3], $0xF7A  }
0x26: {  	[smem:$0x3F9B] =	sst s1;
	(tag) =	ssettag s2;
	_ =	strace s9  }
0x27: {  	s1 =	sld [smem:$0x3FAB]  }
0x28: {  	s2 =	sld [smem:$0x3FAC]  }
0x29: {  	s4 =	sld [smem:$0x3FAE]  }
0x2a: {  	p0 =	seq.s32 s5, $0x0;
	s5 =	sld [smem:$0x3FAF]  }
0x2b: {  	s6 =	sld [smem:$0x3FB0]  }
0x2c: {  	s7 =	sld [smem:$0x3FB1]  }
0x2d: {  	s3 =	simm.s32 $0x108;
	s8 =	sld [smem:$0x3FB2]  }
0x2e: {  	s3 =	simm.s32 @!p0 $0x1082;
	s9 =	sld [smem:$0x3FB3]  }
0x2f: {  	lr =	sadd.s32 s0, s3;
	s0 =	sld [smem:$0x3FAA]  }
0x30: {  	s3 =	sld [smem:$0x3FAD]  }
0x31: {  	[smem:$0x3FB6] =	sst s10  }
0x32: {  	s10 =	sld [smem:$0x3FB4];
	_ =	sdelay $0x3  }
0x33: {  	p0 =	seq.s32 s10, $0x1;
	s10 =	sld [smem:$0x3FB6];
	_ =	sdelay $0x3  }
0x34: {  	[smem:$0x3FB6] =	sst s10  }
0x35: {  	s10 =	sld [smem:$0x3FB5];
	_ =	sdelay $0x3  }
0x36: {  	p1 =	seq.s32 s10, $0x1;
	s10 =	sld [smem:$0x3FB6];
	_ =	sdelay $0x3  }
0x37: {  	[smem:$0x3FB6] =	sst s10  }
0x38: {  	s10 =	sld [smem:$0x3FB7]  }
0x39: {  	_ = 	snop;
	(pc) =	sbr.ind lr, $3  }
0x3a: {  	_ = 	snop  }
0x3b: {  	_ = 	snop  }
0x3c: {  	p2 =	seq.s32 s10, $0x1;
	s10 =	sld [smem:$0x3FB6]  }
0x3d: {  	_ =	shalt  }
0x3e: {  	_ =	shalt  }
0x3f: {  	_ =	shalt  }
0x40: {  	_ =	shalt  }
0x41: {  	_ =	shalt  }
0x42: {  	_ =	shalt  }
0x43: {  	_ =	shalt  }
0x44: {  	_ =	shalt  }
0x45: {  	_ =	shalt  }
0x46: {  	_ =	shalt  }
0x47: {  	_ =	shalt  }
0x48: {  	_ =	shalt  }
0x49: {  	_ =	shalt  }
0x4a: {  	_ =	shalt  }
0x4b: {  	_ =	shalt  }
0x4c: {  	_ =	shalt  }
0x4d: {  	_ =	shalt  }
0x4e: {  	_ =	shalt  }
0x4f: {  	_ =	shalt  }
0x50: {  	_ =	shalt  }
0x51: {  	_ =	shalt  }
0x52: {  	_ =	shalt  }
0x53: {  	_ =	shalt  }
0x54: {  	_ =	shalt  }
0x55: {  	_ =	shalt  }
0x56: {  	_ =	shalt  }
0x57: {  	_ =	shalt  }
0x58: {  	_ =	shalt  }
0x59: {  	_ =	shalt  }
0x5a: {  	_ =	shalt  }
0x5b: {  	_ =	shalt  }
0x5c: {  	_ =	shalt  }
0x5d: {  	_ =	shalt  }
0x5e: {  	_ =	shalt  }
0x5f: {  	_ =	shalt  }
0x60: {  	_ =	shalt  }
0x61: {  	_ =	shalt  }
0x62: {  	_ =	shalt  }
0x63: {  	_ =	shalt  }
0x64: {  	_ =	shalt  }
0x65: {  	_ =	shalt  }
0x66: {  	_ =	shalt  }
0x67: {  	_ =	shalt  }
0x68: {  	_ =	shalt  }
0x69: {  	_ =	shalt  }
0x6a: {  	_ =	shalt  }
0x6b: {  	_ =	shalt  }
0x6c: {  	_ =	shalt  }
0x6d: {  	_ =	shalt  }
0x6e: {  	_ =	shalt  }
0x6f: {  	_ =	shalt  }
0x70: {  	_ =	shalt  }
0x71: {  	_ =	shalt  }
0x72: {  	_ =	shalt  }
0x73: {  	_ =	shalt  }
0x74: {  	_ =	shalt  }
0x75: {  	_ =	shalt  }
0x76: {  	_ =	shalt  }
0x77: {  	_ =	shalt  }
0x78: {  	_ =	shalt  }
0x79: {  	_ =	shalt  }
0x7a: {  	_ =	shalt  }
0x7b: {  	_ =	shalt  }
0x7c: {  	_ =	shalt  }
0x7d: {  	_ =	shalt  }
0x7e: {  	_ =	shalt  }
0x7f: {  	_ =	shalt  }
0x80: {  	_ =	shalt  }
0x81: {  	_ =	shalt  }
0x82: {  	_ =	shalt  }
0x83: {  	_ =	shalt  }
0x84: {  	_ =	shalt  }
0x85: {  	_ =	shalt  }
0x86: {  	_ =	shalt  }
0x87: {  	_ =	shalt  }
.Lfunc_end0:
.L_simem_size_0:
called_computation.1_lowered:
.L_overlay_start_0:
0x88: {  	s2 =	sld [smem:$0x3FD9]  }
0x89: {  	s3 =	sld [smem:$0x3FFE];
	_ =	sdelay $0x1  }
0x8a: {  	s1 =	srdreg.scid  }
0x8b: {  	s0 =	sand.u32 $0x1, s1  }
0x8c: {  	s16 =	sshll.u32 s0, $0xA;
	s2 =	sadd.s32 s3, s2  }
0x8d: {  	s2 =	sadd.s32 s2, s16  }
0x8e: {  	[smem:$0x3FC2] =	sst s2  }
0x8f: {  	_ = 	snop  }
0x90: {  	(tm) =	ssettm $0x1  }
0x91: {  	s17 =	sld [smem:$0x3FFB];
	_ =	sdelay $0x3  }
0x92: {  	_ =	strace s17  }
0x93: {  	s2 =	sld [smem:$0x3FFC];
	_ =	sdelay $0x3  }
0x94: {  	_ =	strace s2  }
0x95: {  	s2 =	sld [smem:$0x3FFD];
	_ =	sdelay $0x3  }
0x96: {  	_ =	strace s2  }
0x97: {  	_ =	strace $0x8FFFFFFF  }
0x98: {  	s18 =	sld [smem:$0x3FDB];
	_ =	sdelay $0x1  }
0x99: {  	s19 =	simm.s32 $_scs_section_size  }
0x9a: {  	s4 =	simm.s32 $_size__tile_overlayer_lowered;
	s5 =	simm.s32 $_tile_overlayer_lowered  }
0x9b: {  	s22 =	simm.s32 $0x1BFF;
	s21 =	sshll.u32 s5, $0x1;
	s2 =	sadd.s32 s19, s18  }
0x9c: {  	s6 =	simm.s32 $0x0;
	s20 =	sshll.u32 s4, $0x1;
	s4 =	sadd.s32 s21, s2  }
0x9d: {  	[timem:s6], [sflag:s22] =	dma.local [hbm:s4], s20  }
0x9e: {  	_ =	swait.ge [sflag:s22], s20  }
0x9f: {  	s3 =	ssub.s32 $0x0, s20;
	[sflag:s22] =	ssyncset.done $0x0  }
0xa0: {  	[sflag:s22] =	ssyncadd.s32 s3;
	_ =	sdelay $0x1  }
0xa1: {  	s23 =	simm.s32 $0x1B8B  }
0xa2: {  	_ =	swait.ge [sflag:s23], $0x1  }
0xa3: {  	[sflag:s23] =	ssyncset.done $0x0  }
0xa4: {  	s25 =	simm.s32 $0x1B8E;
	s24 =	sld [smem:$0x3FFE];
	[sflag:s23] =	ssyncadd.s32 $0xFFFFFFFF  }
0xa5: {  	s26 =	simm.s32 $execute0_lowered;
	[smem:$0x3FD2] =	sst s25  }
0xa6: {  	s4 =	sshll.u32 s26, $0x1;
	_ =	strace $0x80000049;
	[dreg:$0x1] =	wrdreg $0xFFFFFFFF  }
0xa7: {  	s28 =	simm.s32 $_size_execute0_lowered;
	s2 =	sadd.s32 s2, s4;
	[dreg:$0x0] =	wrdreg $0x0  }
0xa8: {  	s4 =	sshll.u32 s28, $0x1;
	[dreg:$0x2] =	wrdreg s2  }
0xa9: {  	[dreg:$0x3] =	wrdreg s4  }
0xaa: {  	[dreg:$0x4] =	wrdreg $0xC0  }
0xab: {  	_ =	task [dreg:s6], $0x5FFFF  }
0xac: {  	[dreg:$0x1] =	wrdreg $0xFFFFFFFF  }
0xad: {  	[dreg:$0x0] =	wrdreg $0x60  }
0xae: {  	[dreg:$0x2] =	wrdreg s24  }
0xaf: {  	[dreg:$0x3] =	wrdreg $0x8F000  }
0xb0: {  	[dreg:$0x4] =	wrdreg $0x9  }
0xb1: {  	_ =	task.clear_ibuf [dreg:s6], $0x5FFFF;
	_ =	strace $0x90000049  }
0xb2: {  	s29 =	simm.s32 $0x9;
	_ =	strace $0x8000004B  }
0xb3: {  	_ =	swait.ge [sflag:s29], $0x1  }
0xb4: {  	[sflag:s29] =	ssyncadd.s32 $0xFFFFFFFF  }
0xb5: {  	_ =	strace $0x9000004B  }
0xb6: {  	_ =	sfence  }
0xb7: {  	s30 =	sld [smem:$0x0];
	_ =	sdelay $0x2  }
0xb8: {  	s31 =	sshll.u32 s1, $0xD;
	s1 =	sshrl.u32 s1, $0x2  }
0xb9: {  	s3 =	sand.u32 $0x4000, s31;
	s1 =	sadd.s32 s1, s30  }
0xba: {  	s0 =	sor.u32 s3, s0;
	s1 =	sshll.u32 s1, $0x11  }
0xbb: {  	s0 =	sor.u32 s1, s0  }
0xbc: {  	s0 =	sadd.s32 $0x8F2B, s0  }
0xbd: {  	[sflag:s0] =	ssyncadd.remote.s32 $0x1  }
0xbe: {  	_ =	sfence.sel $0xFFFF  }
0xbf: {  	[dreg:$0x0] =	wrdreg $0xFFFFFFFF;
	(pc) =	sbr.abs _section_cstart, $3  }
0xc0: {  	[dreg:$0x1] =	wrdreg $0xFFFFFFFF  }
0xc1: {  	_ =	task.clear_ibuf [dreg:s6], $0x2FFFF;
	_ =	strace $0x9FFFFFFF  }
0xc2: {  	(tm) =	ssettm $0x7FFFFFFF  }
0xc3: {  	_ =	shalt  }
tec
execute0_lowered:
.L_overlay_start_1:
0x0: {  	(tag) =	ssettag $0x1  }
0x1: {  	s11 =	rddreg [dreg:$0x0]  }
0x2: {  	s0 =	srdreg.scid;
	s2 =	rddreg [dreg:$0x1];
	s3 =	simm.s32 $0x0  }
0x3: {  	s17 =	simm.s32 $0x3;
	s18 =	simm.s32 $0x80;
	s19 =	simm.s32 $0x4F00  }
0x4: {  	s20 =	simm.s32 $0x6F00;
	s21 =	simm.s32 $0x2;
	s22 =	simm.s32 $0x0  }
0x5: {  	s7 =	sand.u32 $0x1, s0;
	s0 =	stileid.u32;
	[smem:$0x7FF] =	sst s3  }
0x6: {  	s4 =	sadd.s32 $0x1F800, s11;
	s1 =	sshll.u32 s7, $0x4;
	s8 =	smul.u32 $0xA000, s0  }
0x7: {  	s6 =	smul.u32 $0x140000, s7;
	s31 =	ssub.s32 $0x2, s7;
	p0 =	seq.s32 s7, $0x1  }
0x8: {  	s15 =	sshll.u32 s0, $0x6;
	s1 =	sor.u32 s0, s1;
	s12 =	sshrl.u32 s31, $0x1  }
0x9: {  	s15 =	sor.u32 $0x1C03, s15;
	s5 =	smul.u32 $0x4F0, s1;
	s1 =	rddreg [dreg:$0x2]  }
0xa: {  	_ =	strace $0x8000004A;
	s30 =	sadd.s32 s6, s8;
	s10 =	sshrl.u32 s8, $0x3  }
0xb: {  	s12 =	ssub.s32 s31, s12;
	s16 =	sadd.s32 s8, s2;
	s13 =	sadd.s32 s10, s11  }
0xc: {  	s7 =	sadd.s32 s4, s10;
	s8 =	smax.u32 s12, $0x1;
	s16 =	sshrl.u32 s16, $0x3  }
.Ltmp0:
0xd: {  	s9 =	sadd.s32 s5, s11;
	s5 =	sshrl.u32 s30, $0x3;
	(pc) =	sbr.rel .LBB2_1-.Ltmp0, $4  }
0xe: {  	s13 =	sadd.s32 $0x47800, s13;
	s10 =	sadd.s32 $0x14000, s7;
	s14 =	sadd.s32 s5, s11  }
0xf: {  	s5 =	sadd.s32 $0x15A00, s9;
	s6 =	sadd.s32 $0x1600, s9;
	s7 =	smov.u32 @p0 s13  }
0x10: {  	s10 =	smov.u32 @p0 s13;
	s11 =	sadd.s32 $0x33800, s11;
	s13 =	simm.s32 $0x2780  }
0x11: {  	s9 =	sadd.s32 $0x5B800, s14;
	s12 =	sadd.s32 $0x6F800, s14;
	s14 =	simm.s32 $0x1  }
.LBB2_13:
0x12: {  	s22 =	sadd.s32 $0x1, s22  }
0x13: {  	p0 =	sne.s32 s22, s8  }
.Ltmp1:
0x14: {  	[bflag:$0x0] =	sbarrier.arrive $0xFFFF;
	(pc) =	sbr.rel @!p0 .LBB2_14-.Ltmp1, $4  }
0x15: {  	[hbm:s12], [sflag:s15] =	dma.local [spmem:s16], $0x1400  }
0x16: {  	_ =	swait.ge [sflag:s17], $0x1400  }
0x17: {  	[sflag:s17] =	ssyncset.done $0x0  }
0x18: {  	[sflag:s17] =	ssyncadd.s32 $0xFFFFEC00  }
.LBB2_1:
0x19: {  	[tilespmem:s3], [sflag:$0x1] =	stream.linear.gather [hbm4b:s5+s3], $0x2780, $0x38;
	[tilespmem:$0x12F00] =	vst v63  }
0x1a: {  	_ = 	snop  }
0x1b: {  	[tilespmem:s13], [sflag:$0x2] =	stream.linear.gather [hbm4b:s6+s3], $0x2780, $0x38;
	[tilespmem:$0x12F00] =	vst v63  }
0x1c: {  	_ =	swait.ge [sflag:s14], $0x2780  }
0x1d: {  	[sflag:s14] =	ssyncset.done $0x0  }
0x1e: {  	[sflag:s14] =	ssyncadd.s32 $0xFFFFD880  }
0x1f: {  	_ =	swait.ge [sflag:s21], $0x2780  }
0x20: {  	[sflag:s21] =	ssyncset.done $0x0  }
0x21: {  	[sflag:s21] =	ssyncadd.s32 $0xFFFFD880  }
0x22: {  	[spmem:s16], [sflag:s15] =	dma.local [hbm:s7], $0x1400  }
0x23: {  	_ =	swait.ge [sflag:s17], $0x1400  }
0x24: {  	[sflag:s17] =	ssyncset.done $0x0  }
0x25: {  	[sflag:s17] =	ssyncadd.s32 $0xFFFFEC00  }
0x26: {  	[bflag:$0x0] =	sbarrier.arrive $0xFFFF  }
0x27: {  	[tilespmem:s19], [sflag:$0x1] =	stream.indirect.gather [hbm4b:s4+s18], $0x40, s3, s18, $0xb8;
	[tilespmem:$0x12F00] =	vst v63  }
0x28: {  	_ = 	snop  }
0x29: {  	[tilespmem:s20], [sflag:$0x1] =	stream.indirect.gather [hbm4b:s4+s18], $0x40, s18, s18, $0xb8;
	[tilespmem:$0x12F00] =	vst v63  }
.Ltmp2:
0x2a: {  	_ = 	snop;
	(pc) =	sbr.rel .LBB2_2-.Ltmp2, $4  }
0x2b: {  	_ =	swait.ge [sflag:s14], $0x2000  }
0x2c: {  	s23 =	simm.s32 $0x4000;
	s24 =	simm.s32 $0x2800;
	[sflag:s14] =	ssyncset.done $0x0  }
0x2d: {  	s25 =	simm.s32 $0x100;
	s26 =	simm.s32 $0x2;
	[sflag:s14] =	ssyncadd.s32 $0xFFFFE000  }
0x2e: {  	[spmem:s2] =	stream.indirect.scatter.add.f32 [tilespmem:s19], [sflag:$0x2], $0x40, s13, s18, $0xb8;
	[tilespmem:$0x12F00] =	vst v63  }
.LBB2_3:
0x2f: {  	s28 =	sand.u32 $0x2000, s23  }
0x30: {  	s28 =	sor.u32 $0x4F00, s28  }
0x31: {  	[tilespmem:s28], [sflag:$0x1] =	stream.indirect.gather [hbm4b:s4+s18], $0x40, s25, s18, $0xb8;
	[tilespmem:$0x12F00] =	vst v63  }
.LBB2_5:
0x32: {  	_ =	swait.ge [sflag:s14], $0x2000;
	s28 =	sadd.s32 $0xFFFFE000, s23  }
0x33: {  	[sflag:s14] =	ssyncset.done $0x0;
	s28 =	sand.u32 $0x2000, s28  }
0x34: {  	[sflag:s14] =	ssyncadd.s32 $0xFFFFE000;
	s28 =	sor.u32 $0x4F00, s28  }
0x35: {  	[spmem:s2] =	stream.indirect.scatter.add.f32 [tilespmem:s28], [sflag:$0x2], $0x40, s24, s18, $0xb8;
	[tilespmem:$0x12F00] =	vst v63  }
.LBB2_6:
0x36: {  	s23 =	sadd.s32 $0x2000, s23  }
0x37: {  	p0 =	sne.s32 s23, $0xA2000  }
.Ltmp3:
0x38: {  	_ = 	snop;
	(pc) =	sbr.rel @!p0 .LBB2_7-.Ltmp3, $2  }
0x39: {  	_ =	sdelay $0x2  }
0x3a: {  	s26 =	sadd.s32 $0x1, s26;
	s24 =	sadd.s32 $0x80, s24;
	s25 =	sadd.s32 $0x80, s25  }
.LBB2_2:
0x3b: {  	p0 =	sgt.u32 s26, $0x4E  }
.Ltmp4:
0x3c: {  	_ = 	snop;
	(pc) =	sbr.rel @!p0 .LBB2_3-.Ltmp4, $4  }
0x3d: {  	_ = 	snop  }
0x3e: {  	_ =	swait.ge [sflag:s21], $0x2000  }
0x3f: {  	[sflag:s21] =	ssyncset.done $0x0  }
0x40: {  	[sflag:s21] =	ssyncadd.s32 $0xFFFFE000  }
0x41: {  	p0 =	sne.s32 s23, $0x9E000  }
.Ltmp5:
0x42: {  	_ = 	snop;
	(pc) =	sbr.rel @p0 .LBB2_6-.Ltmp5, $4  }
.Ltmp6:
0x43: {  	_ = 	snop;
	(pc) =	sbr.rel @!p0 .LBB2_5-.Ltmp6, $4  }
0x44: {  	_ = 	snop  }
0x45: {  	_ = 	snop  }
0x46: {  	_ = 	snop  }
0x47: {  	_ = 	snop  }
.LBB2_7:
0x48: {  	[bflag:$0x0] =	sbarrier.arrive $0xFFFF  }
0x49: {  	[hbm:s9], [sflag:s15] =	dma.local [spmem:s16], $0x1400  }
0x4a: {  	_ =	swait.ge [sflag:s17], $0x1400  }
0x4b: {  	[sflag:s17] =	ssyncset.done $0x0  }
0x4c: {  	[sflag:s17] =	ssyncadd.s32 $0xFFFFEC00  }
0x4d: {  	[spmem:s16], [sflag:s15] =	dma.local [hbm:s10], $0x1400  }
0x4e: {  	_ =	swait.ge [sflag:s17], $0x1400  }
0x4f: {  	[sflag:s17] =	ssyncset.done $0x0  }
0x50: {  	[sflag:s17] =	ssyncadd.s32 $0xFFFFEC00  }
0x51: {  	[bflag:$0x0] =	sbarrier.arrive $0xFFFF  }
0x52: {  	[tilespmem:s19], [sflag:$0x1] =	stream.indirect.gather [hbm4b:s11+s18], $0x40, s3, s18, $0xb8;
	[tilespmem:$0x12F00] =	vst v63  }
0x53: {  	_ = 	snop  }
0x54: {  	[tilespmem:s20], [sflag:$0x1] =	stream.indirect.gather [hbm4b:s11+s18], $0x40, s18, s18, $0xb8;
	[tilespmem:$0x12F00] =	vst v63  }
.Ltmp7:
0x55: {  	_ = 	snop;
	(pc) =	sbr.rel .LBB2_8-.Ltmp7, $4  }
0x56: {  	_ =	swait.ge [sflag:s14], $0x2000  }
0x57: {  	s23 =	simm.s32 $0x2;
	s24 =	simm.s32 $0x4000;
	[sflag:s14] =	ssyncset.done $0x0  }
0x58: {  	s25 =	simm.s32 $0x2800;
	s26 =	simm.s32 $0x100;
	[sflag:s14] =	ssyncadd.s32 $0xFFFFE000  }
0x59: {  	[spmem:s2] =	stream.indirect.scatter.add.f32 [tilespmem:s19], [sflag:$0x2], $0x40, s13, s18, $0xb8;
	[tilespmem:$0x12F00] =	vst v63  }
.LBB2_10:
0x5a: {  	s28 =	sand.u32 $0x2000, s24  }
0x5b: {  	s28 =	sor.u32 $0x4F00, s28  }
0x5c: {  	[tilespmem:s28], [sflag:$0x1] =	stream.indirect.gather [hbm4b:s11+s18], $0x40, s26, s18, $0xb8;
	[tilespmem:$0x12F00] =	vst v63  }
.LBB2_11:
0x5d: {  	_ =	swait.ge [sflag:s14], $0x2000;
	s28 =	sadd.s32 $0xFFFFE000, s24  }
0x5e: {  	[sflag:s14] =	ssyncset.done $0x0;
	s28 =	sand.u32 $0x2000, s28  }
0x5f: {  	[sflag:s14] =	ssyncadd.s32 $0xFFFFE000;
	s28 =	sor.u32 $0x4F00, s28  }
0x60: {  	[spmem:s2] =	stream.indirect.scatter.add.f32 [tilespmem:s28], [sflag:$0x2], $0x40, s25, s18, $0xb8;
	[tilespmem:$0x12F00] =	vst v63  }
.LBB2_12:
0x61: {  	s24 =	sadd.s32 $0x2000, s24  }
0x62: {  	p0 =	sne.s32 s24, $0xA2000  }
.Ltmp8:
0x63: {  	_ = 	snop;
	(pc) =	sbr.rel @!p0 .LBB2_13-.Ltmp8, $2  }
0x64: {  	_ =	sdelay $0x2  }
0x65: {  	s23 =	sadd.s32 $0x1, s23;
	s25 =	sadd.s32 $0x80, s25;
	s26 =	sadd.s32 $0x80, s26  }
.LBB2_8:
0x66: {  	p0 =	slt.u32 s23, $0x4F  }
.Ltmp9:
0x67: {  	_ = 	snop;
	(pc) =	sbr.rel @p0 .LBB2_10-.Ltmp9, $4  }
0x68: {  	_ = 	snop  }
0x69: {  	_ =	swait.ge [sflag:s21], $0x2000  }
0x6a: {  	[sflag:s21] =	ssyncset.done $0x0  }
0x6b: {  	[sflag:s21] =	ssyncadd.s32 $0xFFFFE000  }
0x6c: {  	p0 =	seq.s32 s24, $0x9E000  }
.Ltmp10:
0x6d: {  	_ = 	snop;
	(pc) =	sbr.rel @p0 .LBB2_11-.Ltmp10, $4  }
.Ltmp11:
0x6e: {  	_ = 	snop;
	(pc) =	sbr.rel @!p0 .LBB2_12-.Ltmp11, $4  }
0x6f: {  	_ = 	snop  }
0x70: {  	_ = 	snop  }
0x71: {  	_ = 	snop  }
0x72: {  	_ = 	snop  }
.LBB2_14:
0x73: {  	_ =	sfence.sel $0x180000  }
0x74: {  	[bflag:$0x0] =	sbarrier.arrive $0xFFFF  }
0x75: {  	p0 =	sne.s32 s0, $0x0;
	_ =	strace $0x9000004A  }
0x76: {  	s0 =	sadd.s32 @!p0 $0x100000, s1;
	[bflag:$0x2] =	sbarrier.arrive $0xFFFF  }
0x77: {  	[sflag:s0] =	ssyncadd.tile.s32 @!p0 $0x1;
	_ =	shalt  }
.Lfunc_end2:
_tile_overlayer_lowered:
.L_overlay_start_2:
0x78: {  	(tag) =	ssettag $0x2  }
0x79: {  	s0 =	rddreg [dreg:$0x0];
	s2 =	stileid.u32  }
0x7a: {  	s1 =	rddreg [dreg:$0x1];
	p0 =	sne.s32 s2, $0x0  }
0x7b: {  	s3 =	rddreg [dreg:$0x2];
	[bflag:$0x3] =	sbarrier.arrive $0xFFFF;
	s2 =	simm.s32 @!p0 $0x1C03  }
0x7c: {  	[timem:s3], [sflag:s2] =	dma.local @!p0 [hbm:s0], s1  }
0x7d: {  	s0 =	simm.s32 @!p0 $0x3  }
0x7e: {  	_ =	swait.ge @!p0 [sflag:s0], s1  }
0x7f: {  	s1 =	ssub.s32 @!p0 $0x0, s1;
	[sflag:s0] =	ssyncset.done @!p0 $0x0  }
0x80: {  	[sflag:s0] =	ssyncadd.s32 @!p0 s1  }
0x81: {  	[bflag:$0x3] =	sbarrier.arrive $0xFFFF  }
0x82: {  	_ =	shalt  }

// kernel: kernel.14.cloned.1.call-start
scs
__scs_entry_jumppad:
0x0: {  	(pc) =	sbr.rel $0x88, $3  }
0x1: {  	(tag) =	ssettag $0x0;
	lr =	simm.s32 $0x1  }
0x2: {  	[smem:$0x3F9B] =	sst lr;
	_ =	strace $0xD0000000  }
0x3: {  	_ = 	snop  }
0x4: {  	_ = 	snop  }
0x5: {  	_ = 	snop  }
0x6: {  	_ = 	snop  }
0x7: {  	_ = 	snop  }
__scs_overlays_trampoline_lowered:
0x8: {  	[smem:$0x3FAA] =	sst s0  }
0x9: {  	[smem:$0x3FAB] =	sst s1  }
0xa: {  	[smem:$0x3FAC] =	sst s2  }
0xb: {  	[smem:$0x3FAD] =	sst s3  }
0xc: {  	[smem:$0x3FAE] =	sst s4  }
0xd: {  	[smem:$0x3FAF] =	sst s5  }
0xe: {  	[smem:$0x3FB0] =	sst s6  }
0xf: {  	[smem:$0x3FB1] =	sst s7  }
0x10: {  	[smem:$0x3FB2] =	sst s8  }
0x11: {  	[smem:$0x3FB3] =	sst s9;
	s0 =	simm.s32 @!p0 $0x0  }
0x12: {  	s1 =	sld [smem:$0x3F99];
	s0 =	simm.s32 @p0 $0x1  }
0x13: {  	[smem:$0x3FB4] =	sst s0;
	s0 =	simm.s32 @!p1 $0x0  }
0x14: {  	s2 =	sld [smem:$0x3F98];
	s0 =	simm.s32 @p1 $0x1  }
0x15: {  	[smem:$0x3FB5] =	sst s0;
	s0 =	simm.s32 @!p2 $0x0  }
0x16: {  	s3 =	sld [smem:$0x3FDB];
	s0 =	simm.s32 @p2 $0x1  }
0x17: {  	s4 =	simm.s32 $0x1BF5;
	[smem:$0x3FB7] =	sst s0  }
0x18: {  	s0 =	sld [smem:$0x3F9A];
	_ =	swait.ge [sflag:s4], $0x0  }
0x19: {  	s7 =	sld [smem:$0x3F9B]  }
0x1a: {  	s8 =	sadd.s32 $0xFFFFE003, lr  }
0x1b: {  	s9 =	sadd.s32 $0xFFFFFEF7, lr;
	s5 =	simm.s32 $0xFFFFFFFF;
	p2 =	slt.u32 s8, $0xFFFFF086  }
0x1c: {  	p1 =	slt.u32 s9, $0xF7A;
	s5 =	simm.s32 @!p2 $0x0  }
0x1d: {  	s5 =	simm.s32 @p1 $0x1;
	p0 =	seq.s32 s7, s2  }
0x1e: {  	s7 =	smul.u32 @!p0 $0xF7A, s2;
	p2 =	seq.s32 @!p0 s5, $0x0  }
0x1f: {  	s9 =	smul.u32 $0xF7A, s1;
	s8 =	simm.s32 @!p0 $0x1BF5;
	p2 =	por !p2, p0  }
0x20: {  	[sflag:s8] =	ssyncset.s32 @!p0 $0xFFFFF086;
	s6 =	sadd.s32 @!p0 s3, s7;
	s7 =	simm.s32 @!p0 $0x108  }
0x21: {  	s3 =	sadd.s32 s3, s9;
	s6 =	sadd.s32 @!p0 $0x88, s6;
	s7 =	simm.s32 @p2 $0x1082  }
0x22: {  	[simem:s7], [sflag:s8] =	dma.local @!p0 [hbm:s6], $0xF7A  }
0x23: {  	s9 =	sor.u32 $0xD0000000, s2;
	s6 =	simm.s32 $0x108;
	_ =	swait.ge @!p0 [sflag:s8], $0x0  }
0x24: {  	s3 =	sadd.s32 $0x88, s3;
	s6 =	simm.s32 @!p1 $0x1082;
	[sflag:s4] =	ssyncset.s32 $0xFFFFF086  }
0x25: {  	[simem:s6], [sflag:s4] =	dma.local [hbm:s3], $0xF7A  }
0x26: {  	[smem:$0x3F9B] =	sst s1;
	(tag) =	ssettag s2;
	_ =	strace s9  }
0x27: {  	s1 =	sld [smem:$0x3FAB]  }
0x28: {  	s2 =	sld [smem:$0x3FAC]  }
0x29: {  	s4 =	sld [smem:$0x3FAE]  }
0x2a: {  	p0 =	seq.s32 s5, $0x0;
	s5 =	sld [smem:$0x3FAF]  }
0x2b: {  	s6 =	sld [smem:$0x3FB0]  }
0x2c: {  	s7 =	sld [smem:$0x3FB1]  }
0x2d: {  	s3 =	simm.s32 $0x108;
	s8 =	sld [smem:$0x3FB2]  }
0x2e: {  	s3 =	simm.s32 @!p0 $0x1082;
	s9 =	sld [smem:$0x3FB3]  }
0x2f: {  	lr =	sadd.s32 s0, s3;
	s0 =	sld [smem:$0x3FAA]  }
0x30: {  	s3 =	sld [smem:$0x3FAD]  }
0x31: {  	[smem:$0x3FB6] =	sst s10  }
0x32: {  	s10 =	sld [smem:$0x3FB4];
	_ =	sdelay $0x3  }
0x33: {  	p0 =	seq.s32 s10, $0x1;
	s10 =	sld [smem:$0x3FB6];
	_ =	sdelay $0x3  }
0x34: {  	[smem:$0x3FB6] =	sst s10  }
0x35: {  	s10 =	sld [smem:$0x3FB5];
	_ =	sdelay $0x3  }
0x36: {  	p1 =	seq.s32 s10, $0x1;
	s10 =	sld [smem:$0x3FB6];
	_ =	sdelay $0x3  }
0x37: {  	[smem:$0x3FB6] =	sst s10  }
0x38: {  	s10 =	sld [smem:$0x3FB7]  }
0x39: {  	_ = 	snop;
	(pc) =	sbr.ind lr, $3  }
0x3a: {  	_ = 	snop  }
0x3b: {  	_ = 	snop  }
0x3c: {  	p2 =	seq.s32 s10, $0x1;
	s10 =	sld [smem:$0x3FB6]  }
0x3d: {  	_ =	shalt  }
0x3e: {  	_ =	shalt  }
0x3f: {  	_ =	shalt  }
0x40: {  	_ =	shalt  }
0x41: {  	_ =	shalt  }
0x42: {  	_ =	shalt  }
0x43: {  	_ =	shalt  }
0x44: {  	_ =	shalt  }
0x45: {  	_ =	shalt  }
0x46: {  	_ =	shalt  }
0x47: {  	_ =	shalt  }
0x48: {  	_ =	shalt  }
0x49: {  	_ =	shalt  }
0x4a: {  	_ =	shalt  }
0x4b: {  	_ =	shalt  }
0x4c: {  	_ =	shalt  }
0x4d: {  	_ =	shalt  }
0x4e: {  	_ =	shalt  }
0x4f: {  	_ =	shalt  }
0x50: {  	_ =	shalt  }
0x51: {  	_ =	shalt  }
0x52: {  	_ =	shalt  }
0x53: {  	_ =	shalt  }
0x54: {  	_ =	shalt  }
0x55: {  	_ =	shalt  }
0x56: {  	_ =	shalt  }
0x57: {  	_ =	shalt  }
0x58: {  	_ =	shalt  }
0x59: {  	_ =	shalt  }
0x5a: {  	_ =	shalt  }
0x5b: {  	_ =	shalt  }
0x5c: {  	_ =	shalt  }
0x5d: {  	_ =	shalt  }
0x5e: {  	_ =	shalt  }
0x5f: {  	_ =	shalt  }
0x60: {  	_ =	shalt  }
0x61: {  	_ =	shalt  }
0x62: {  	_ =	shalt  }
0x63: {  	_ =	shalt  }
0x64: {  	_ =	shalt  }
0x65: {  	_ =	shalt  }
0x66: {  	_ =	shalt  }
0x67: {  	_ =	shalt  }
0x68: {  	_ =	shalt  }
0x69: {  	_ =	shalt  }
0x6a: {  	_ =	shalt  }
0x6b: {  	_ =	shalt  }
0x6c: {  	_ =	shalt  }
0x6d: {  	_ =	shalt  }
0x6e: {  	_ =	shalt  }
0x6f: {  	_ =	shalt  }
0x70: {  	_ =	shalt  }
0x71: {  	_ =	shalt  }
0x72: {  	_ =	shalt  }
0x73: {  	_ =	shalt  }
0x74: {  	_ =	shalt  }
0x75: {  	_ =	shalt  }
0x76: {  	_ =	shalt  }
0x77: {  	_ =	shalt  }
0x78: {  	_ =	shalt  }
0x79: {  	_ =	shalt  }
0x7a: {  	_ =	shalt  }
0x7b: {  	_ =	shalt  }
0x7c: {  	_ =	shalt  }
0x7d: {  	_ =	shalt  }
0x7e: {  	_ =	shalt  }
0x7f: {  	_ =	shalt  }
0x80: {  	_ =	shalt  }
0x81: {  	_ =	shalt  }
0x82: {  	_ =	shalt  }
0x83: {  	_ =	shalt  }
0x84: {  	_ =	shalt  }
0x85: {  	_ =	shalt  }
0x86: {  	_ =	shalt  }
0x87: {  	_ =	shalt  }
.Lfunc_end0:
.L_simem_size_0:
called_computation.2_lowered:
.L_overlay_start_0:
0x88: {  	s2 =	sld [smem:$0x3FD9]  }
0x89: {  	s3 =	sld [smem:$0x3FFE];
	_ =	sdelay $0x1  }
0x8a: {  	s1 =	srdreg.scid  }
0x8b: {  	s0 =	sand.u32 $0x1, s1  }
0x8c: {  	s16 =	sshll.u32 s0, $0xA;
	s2 =	sadd.s32 s3, s2  }
0x8d: {  	s2 =	sadd.s32 s2, s16  }
0x8e: {  	[smem:$0x3FC2] =	sst s2  }
0x8f: {  	_ = 	snop  }
0x90: {  	(tm) =	ssettm $0x1  }
0x91: {  	s17 =	sld [smem:$0x3FFB];
	_ =	sdelay $0x3  }
0x92: {  	_ =	strace s17  }
0x93: {  	s2 =	sld [smem:$0x3FFC];
	_ =	sdelay $0x3  }
0x94: {  	_ =	strace s2  }
0x95: {  	s2 =	sld [smem:$0x3FFD];
	_ =	sdelay $0x3  }
0x96: {  	_ =	strace s2  }
0x97: {  	_ =	strace $0x8FFFFFFF  }
0x98: {  	s18 =	sld [smem:$0x3FDB];
	_ =	sdelay $0x1  }
0x99: {  	s19 =	simm.s32 $_scs_section_size  }
0x9a: {  	s4 =	simm.s32 $_size__tile_overlayer_lowered;
	s5 =	simm.s32 $_tile_overlayer_lowered  }
0x9b: {  	s22 =	simm.s32 $0x1BFF;
	s21 =	sshll.u32 s5, $0x1;
	s2 =	sadd.s32 s19, s18  }
0x9c: {  	s6 =	simm.s32 $0x0;
	s20 =	sshll.u32 s4, $0x1;
	s4 =	sadd.s32 s21, s2  }
0x9d: {  	[timem:s6], [sflag:s22] =	dma.local [hbm:s4], s20  }
0x9e: {  	_ =	swait.ge [sflag:s22], s20  }
0x9f: {  	s3 =	ssub.s32 $0x0, s20;
	[sflag:s22] =	ssyncset.done $0x0  }
0xa0: {  	[sflag:s22] =	ssyncadd.s32 s3;
	_ =	sdelay $0x1  }
0xa1: {  	s23 =	simm.s32 $0x1B8B  }
0xa2: {  	_ =	swait.ge [sflag:s23], $0x1  }
0xa3: {  	[sflag:s23] =	ssyncset.done $0x0  }
0xa4: {  	s25 =	simm.s32 $0x1B8E;
	s24 =	sld [smem:$0x3FFE];
	[sflag:s23] =	ssyncadd.s32 $0xFFFFFFFF  }
0xa5: {  	s26 =	simm.s32 $execute0_lowered;
	[smem:$0x3FD2] =	sst s25  }
0xa6: {  	s4 =	sshll.u32 s26, $0x1;
	_ =	strace $0x8000004C;
	[dreg:$0x1] =	wrdreg $0xFFFFFFFF  }
0xa7: {  	s28 =	simm.s32 $_size_execute0_lowered;
	s2 =	sadd.s32 s2, s4;
	[dreg:$0x0] =	wrdreg $0x0  }
0xa8: {  	s4 =	sshll.u32 s28, $0x1;
	[dreg:$0x2] =	wrdreg s2  }
0xa9: {  	[dreg:$0x3] =	wrdreg s4  }
0xaa: {  	[dreg:$0x4] =	wrdreg $0xC0  }
0xab: {  	_ =	task [dreg:s6], $0x5FFFF  }
0xac: {  	[dreg:$0x1] =	wrdreg $0xFFFFFFFF  }
0xad: {  	[dreg:$0x0] =	wrdreg $0x60  }
0xae: {  	[dreg:$0x2] =	wrdreg s24  }
0xaf: {  	[dreg:$0x3] =	wrdreg $0x9  }
0xb0: {  	_ =	task.clear_ibuf [dreg:s6], $0x4FFFF;
	_ =	strace $0x9000004C  }
0xb1: {  	s29 =	simm.s32 $0x9;
	_ =	strace $0x8000004E  }
0xb2: {  	_ =	swait.ge [sflag:s29], $0x1  }
0xb3: {  	[sflag:s29] =	ssyncadd.s32 $0xFFFFFFFF  }
0xb4: {  	_ =	strace $0x9000004E  }
0xb5: {  	_ =	sfence  }
0xb6: {  	s30 =	sld [smem:$0x0];
	_ =	sdelay $0x2  }
0xb7: {  	s31 =	sshll.u32 s1, $0xD;
	s1 =	sshrl.u32 s1, $0x2  }
0xb8: {  	s3 =	sand.u32 $0x4000, s31;
	s1 =	sadd.s32 s1, s30  }
0xb9: {  	s0 =	sor.u32 s3, s0;
	s1 =	sshll.u32 s1, $0x11  }
0xba: {  	s0 =	sor.u32 s1, s0  }
0xbb: {  	s0 =	sadd.s32 $0x8F2B, s0  }
0xbc: {  	[sflag:s0] =	ssyncadd.remote.s32 $0x1  }
0xbd: {  	_ =	sfence.sel $0xFFFF  }
0xbe: {  	[dreg:$0x0] =	wrdreg $0xFFFFFFFF;
	(pc) =	sbr.abs _section_cstart, $3  }
0xbf: {  	[dreg:$0x1] =	wrdreg $0xFFFFFFFF  }
0xc0: {  	_ =	task.clear_ibuf [dreg:s6], $0x2FFFF;
	_ =	strace $0x9FFFFFFF  }
0xc1: {  	(tm) =	ssettm $0x7FFFFFFF  }
tec
execute0_lowered:
.L_overlay_start_1:
0x0: {  	(tag) =	ssettag $0x1  }
0x1: {  	s5 =	rddreg [dreg:$0x0];
	s1 =	srdreg.scid  }
0x2: {  	s0 =	rddreg [dreg:$0x1];
	s2 =	simm.s32 $0x0;
	s11 =	simm.s32 $0x7780  }
0x3: {  	s12 =	simm.s32 $0x2;
	s13 =	simm.s32 $0x2800;
	s4 =	sand.u32 $0x1, s1  }
0x4: {  	s1 =	stileid.u32;
	[smem:$0x7FF] =	sst s2;
	s3 =	sshll.u32 s4, $0x4  }
0x5: {  	s14 =	simm.s32 $0x0;
	_ =	strace $0x8000004D;
	s6 =	sor.u32 s1, s3  }
0x6: {  	s8 =	ssub.s32 $0x2, s4;
	s4 =	sadd.s32 $0xB400, s5;
	s7 =	smul.u32 $0x4F0, s6  }
0x7: {  	s3 =	sadd.s32 $0xBA00, s5;
	s9 =	sshrl.u32 s8, $0x1;
	s6 =	smul.u32 $0x500, s6  }
0x8: {  	s8 =	ssub.s32 s8, s9;
	s9 =	simm.s32 $0x5000;
	s7 =	sadd.s32 s7, s5  }
0x9: {  	s8 =	smax.u32 s8, $0x1;
	s10 =	sadd.s32 s6, s5;
	s5 =	sadd.s32 $0x15A00, s7  }
0xa: {  	s6 =	sadd.s32 $0x1600, s7;
	s7 =	sadd.s32 $0x1F800, s10;
	s10 =	simm.s32 $0x1  }
.LBB2_1:
0xb: {  	[tilespmem:s9], [sflag:$0x1] =	stream.linear.gather [hbm4b:s5+s2], $0x2780, $0x38;
	[tilespmem:$0x9F00] =	vst v63  }
0xc: {  	_ =	swait.ge [sflag:s10], $0x2780  }
0xd: {  	[sflag:s10] =	ssyncset.done $0x0  }
0xe: {  	[sflag:s10] =	ssyncadd.s32 $0xFFFFD880  }
0xf: {  	[tilespmem:s11], [sflag:$0x1] =	stream.linear.gather [hbm4b:s6+s2], $0x2780, $0x38;
	[tilespmem:$0x9F00] =	vst v63  }
0x10: {  	_ =	swait.ge [sflag:s10], $0x2780  }
0x11: {  	[sflag:s10] =	ssyncset.done $0x0  }
0x12: {  	[sflag:s10] =	ssyncadd.s32 $0xFFFFD880  }
0x13: {  	[tilespmem:s2], [sflag:$0x2] =	stream.linear.gather [hbm4b:s3+s2], $0x2800, $0x38;
	[tilespmem:$0x9F00] =	vst v63  }
0x14: {  	_ =	swait.ge [sflag:s12], $0x2800  }
0x15: {  	[sflag:s12] =	ssyncset.done $0x0  }
0x16: {  	[sflag:s12] =	ssyncadd.s32 $0xFFFFD800  }
0x17: {  	[tilespmem:s13], [sflag:$0x2] =	stream.linear.gather [hbm4b:s4+s2], $0x2800, $0x38;
	[tilespmem:$0x9F00] =	vst v63  }
0x18: {  	_ =	swait.ge [sflag:s12], $0x2800  }
0x19: {  	[sflag:s12] =	ssyncset.done $0x0  }
0x1a: {  	s16 =	simm.s32 $0x0;
	s15 =	simm.s32 $0x40;
	[sflag:s12] =	ssyncadd.s32 $0xFFFFD800  }
.LBB2_2:
0x1b: {  	p0 =	sne.s32 s15, $0x9DC0;
	v0 =	vld [tilespmem:s16+$0x5000];
	_ =	sdelay $0x5  }
0x1c: {  	v1 =	vld [tilespmem:s16+$0x7780];
	_ =	sdelay $0x1  }
0x1d: {  	v0 =	vld.idx.msk [tilespmem:v0+s2+$0x0], $0xffff;
	_ =	sdelay $0x1  }
.Ltmp0:
0x1e: {  	(pc) =	sbr.rel @p0 .LBB2_2-.Ltmp0, $2  }
0x1f: {  	_ =	sdelay $0x2  }
0x20: {  	s16 =	sshra.s32 s15, $0x2;
	s15 =	sadd.s32 $0x40, s15;
	[tilespmem:v1+s13+$0x0] =	vst.idx.add.f32.msk $0xffff, v0  }
0x21: {  	v0 =	vld [tilespmem:s16+$0x5000];
	_ =	sdelay $0x4  }
0x22: {  	v1 =	vld [tilespmem:s16+$0x7780];
	_ =	sdelay $0x2  }
0x23: {  	v0 =	vld.idx.msk [tilespmem:v0+s2+$0x0], $0xffff;
	_ =	sdelay $0x2  }
0x24: {  	s14 =	sadd.s32 $0x1, s14  }
0x25: {  	p0 =	sne.s32 s14, s8  }
.Ltmp1:
0x26: {  	[tilespmem:v1+s13+$0x0] =	vst.idx.add.f32.msk $0xffff, v0;
	(pc) =	sbr.rel @p0 .LBB2_1-.Ltmp1, $4  }
0x27: {  	[hbm4b:s7+s2] =	stream.linear.scatter [tilespmem:s13], [sflag:$0x2], $0x2800, $0x38;
	[tilespmem:$0x9F00] =	vst v63  }
0x28: {  	_ =	swait.ge [sflag:s12], $0x2800  }
0x29: {  	[sflag:s12] =	ssyncset.done $0x0  }
0x2a: {  	[sflag:s12] =	ssyncadd.s32 $0xFFFFD800  }
0x2b: {  	_ =	sfence.sel $0x180000  }
0x2c: {  	[bflag:$0x0] =	sbarrier.arrive $0xFFFF  }
0x2d: {  	p0 =	sne.s32 s1, $0x0;
	_ =	strace $0x9000004D  }
0x2e: {  	s0 =	sadd.s32 @!p0 $0x100000, s0;
	[bflag:$0x2] =	sbarrier.arrive $0xFFFF  }
0x2f: {  	[sflag:s0] =	ssyncadd.tile.s32 @!p0 $0x1;
	_ =	shalt  }
.Lfunc_end2:
_tile_overlayer_lowered:
.L_overlay_start_2:
0x30: {  	(tag) =	ssettag $0x2  }
0x31: {  	s0 =	rddreg [dreg:$0x0];
	s2 =	stileid.u32  }
0x32: {  	s1 =	rddreg [dreg:$0x1];
	p0 =	sne.s32 s2, $0x0  }
0x33: {  	s3 =	rddreg [dreg:$0x2];
	[bflag:$0x3] =	sbarrier.arrive $0xFFFF;
	s2 =	simm.s32 @!p0 $0x1C02  }
0x34: {  	[timem:s3], [sflag:s2] =	dma.local @!p0 [hbm:s0], s1  }
0x35: {  	s0 =	simm.s32 @!p0 $0x2  }
0x36: {  	_ =	swait.ge @!p0 [sflag:s0], s1  }
0x37: {  	s1 =	ssub.s32 @!p0 $0x0, s1;
	[sflag:s0] =	ssyncset.done @!p0 $0x0  }
0x38: {  	[sflag:s0] =	ssyncadd.s32 @!p0 s1  }
0x39: {  	[bflag:$0x3] =	sbarrier.arrive $0xFFFF  }
0x3a: {  	_ =	shalt  }

// kernel: kernel.8.cloned.1.call-start
scs
__scs_entry_jumppad:
0x0: {  	(pc) =	sbr.rel $0x88, $3  }
0x1: {  	(tag) =	ssettag $0x0;
	lr =	simm.s32 $0x1  }
0x2: {  	[smem:$0x3F9B] =	sst lr;
	_ =	strace $0xD0000000  }
0x3: {  	_ = 	snop  }
0x4: {  	_ = 	snop  }
0x5: {  	_ = 	snop  }
0x6: {  	_ = 	snop  }
0x7: {  	_ = 	snop  }
__scs_overlays_trampoline_lowered:
0x8: {  	[smem:$0x3FAA] =	sst s0  }
0x9: {  	[smem:$0x3FAB] =	sst s1  }
0xa: {  	[smem:$0x3FAC] =	sst s2  }
0xb: {  	[smem:$0x3FAD] =	sst s3  }
0xc: {  	[smem:$0x3FAE] =	sst s4  }
0xd: {  	[smem:$0x3FAF] =	sst s5  }
0xe: {  	[smem:$0x3FB0] =	sst s6  }
0xf: {  	[smem:$0x3FB1] =	sst s7  }
0x10: {  	[smem:$0x3FB2] =	sst s8  }
0x11: {  	[smem:$0x3FB3] =	sst s9;
	s0 =	simm.s32 @!p0 $0x0  }
0x12: {  	s1 =	sld [smem:$0x3F99];
	s0 =	simm.s32 @p0 $0x1  }
0x13: {  	[smem:$0x3FB4] =	sst s0;
	s0 =	simm.s32 @!p1 $0x0  }
0x14: {  	s2 =	sld [smem:$0x3F98];
	s0 =	simm.s32 @p1 $0x1  }
0x15: {  	[smem:$0x3FB5] =	sst s0;
	s0 =	simm.s32 @!p2 $0x0  }
0x16: {  	s3 =	sld [smem:$0x3FDB];
	s0 =	simm.s32 @p2 $0x1  }
0x17: {  	s4 =	simm.s32 $0x1BF5;
	[smem:$0x3FB7] =	sst s0  }
0x18: {  	s0 =	sld [smem:$0x3F9A];
	_ =	swait.ge [sflag:s4], $0x0  }
0x19: {  	s7 =	sld [smem:$0x3F9B]  }
0x1a: {  	s8 =	sadd.s32 $0xFFFFE003, lr  }
0x1b: {  	s9 =	sadd.s32 $0xFFFFFEF7, lr;
	s5 =	simm.s32 $0xFFFFFFFF;
	p2 =	slt.u32 s8, $0xFFFFF086  }
0x1c: {  	p1 =	slt.u32 s9, $0xF7A;
	s5 =	simm.s32 @!p2 $0x0  }
0x1d: {  	s5 =	simm.s32 @p1 $0x1;
	p0 =	seq.s32 s7, s2  }
0x1e: {  	s7 =	smul.u32 @!p0 $0xF7A, s2;
	p2 =	seq.s32 @!p0 s5, $0x0  }
0x1f: {  	s9 =	smul.u32 $0xF7A, s1;
	s8 =	simm.s32 @!p0 $0x1BF5;
	p2 =	por !p2, p0  }
0x20: {  	[sflag:s8] =	ssyncset.s32 @!p0 $0xFFFFF086;
	s6 =	sadd.s32 @!p0 s3, s7;
	s7 =	simm.s32 @!p0 $0x108  }
0x21: {  	s3 =	sadd.s32 s3, s9;
	s6 =	sadd.s32 @!p0 $0x88, s6;
	s7 =	simm.s32 @p2 $0x1082  }
0x22: {  	[simem:s7], [sflag:s8] =	dma.local @!p0 [hbm:s6], $0xF7A  }
0x23: {  	s9 =	sor.u32 $0xD0000000, s2;
	s6 =	simm.s32 $0x108;
	_ =	swait.ge @!p0 [sflag:s8], $0x0  }
0x24: {  	s3 =	sadd.s32 $0x88, s3;
	s6 =	simm.s32 @!p1 $0x1082;
	[sflag:s4] =	ssyncset.s32 $0xFFFFF086  }
0x25: {  	[simem:s6], [sflag:s4] =	dma.local [hbm:s3], $0xF7A  }
0x26: {  	[smem:$0x3F9B] =	sst s1;
	(tag) =	ssettag s2;
	_ =	strace s9  }
0x27: {  	s1 =	sld [smem:$0x3FAB]  }
0x28: {  	s2 =	sld [smem:$0x3FAC]  }
0x29: {  	s4 =	sld [smem:$0x3FAE]  }
0x2a: {  	p0 =	seq.s32 s5, $0x0;
	s5 =	sld [smem:$0x3FAF]  }
0x2b: {  	s6 =	sld [smem:$0x3FB0]  }
0x2c: {  	s7 =	sld [smem:$0x3FB1]  }
0x2d: {  	s3 =	simm.s32 $0x108;
	s8 =	sld [smem:$0x3FB2]  }
0x2e: {  	s3 =	simm.s32 @!p0 $0x1082;
	s9 =	sld [smem:$0x3FB3]  }
0x2f: {  	lr =	sadd.s32 s0, s3;
	s0 =	sld [smem:$0x3FAA]  }
0x30: {  	s3 =	sld [smem:$0x3FAD]  }
0x31: {  	[smem:$0x3FB6] =	sst s10  }
0x32: {  	s10 =	sld [smem:$0x3FB4];
	_ =	sdelay $0x3  }
0x33: {  	p0 =	seq.s32 s10, $0x1;
	s10 =	sld [smem:$0x3FB6];
	_ =	sdelay $0x3  }
0x34: {  	[smem:$0x3FB6] =	sst s10  }
0x35: {  	s10 =	sld [smem:$0x3FB5];
	_ =	sdelay $0x3  }
0x36: {  	p1 =	seq.s32 s10, $0x1;
	s10 =	sld [smem:$0x3FB6];
	_ =	sdelay $0x3  }
0x37: {  	[smem:$0x3FB6] =	sst s10  }
0x38: {  	s10 =	sld [smem:$0x3FB7]  }
0x39: {  	_ = 	snop;
	(pc) =	sbr.ind lr, $3  }
0x3a: {  	_ = 	snop  }
0x3b: {  	_ = 	snop  }
0x3c: {  	p2 =	seq.s32 s10, $0x1;
	s10 =	sld [smem:$0x3FB6]  }
0x3d: {  	_ =	shalt  }
0x3e: {  	_ =	shalt  }
0x3f: {  	_ =	shalt  }
0x40: {  	_ =	shalt  }
0x41: {  	_ =	shalt  }
0x42: {  	_ =	shalt  }
0x43: {  	_ =	shalt  }
0x44: {  	_ =	shalt  }
0x45: {  	_ =	shalt  }
0x46: {  	_ =	shalt  }
0x47: {  	_ =	shalt  }
0x48: {  	_ =	shalt  }
0x49: {  	_ =	shalt  }
0x4a: {  	_ =	shalt  }
0x4b: {  	_ =	shalt  }
0x4c: {  	_ =	shalt  }
0x4d: {  	_ =	shalt  }
0x4e: {  	_ =	shalt  }
0x4f: {  	_ =	shalt  }
0x50: {  	_ =	shalt  }
0x51: {  	_ =	shalt  }
0x52: {  	_ =	shalt  }
0x53: {  	_ =	shalt  }
0x54: {  	_ =	shalt  }
0x55: {  	_ =	shalt  }
0x56: {  	_ =	shalt  }
0x57: {  	_ =	shalt  }
0x58: {  	_ =	shalt  }
0x59: {  	_ =	shalt  }
0x5a: {  	_ =	shalt  }
0x5b: {  	_ =	shalt  }
0x5c: {  	_ =	shalt  }
0x5d: {  	_ =	shalt  }
0x5e: {  	_ =	shalt  }
0x5f: {  	_ =	shalt  }
0x60: {  	_ =	shalt  }
0x61: {  	_ =	shalt  }
0x62: {  	_ =	shalt  }
0x63: {  	_ =	shalt  }
0x64: {  	_ =	shalt  }
0x65: {  	_ =	shalt  }
0x66: {  	_ =	shalt  }
0x67: {  	_ =	shalt  }
0x68: {  	_ =	shalt  }
0x69: {  	_ =	shalt  }
0x6a: {  	_ =	shalt  }
0x6b: {  	_ =	shalt  }
0x6c: {  	_ =	shalt  }
0x6d: {  	_ =	shalt  }
0x6e: {  	_ =	shalt  }
0x6f: {  	_ =	shalt  }
0x70: {  	_ =	shalt  }
0x71: {  	_ =	shalt  }
0x72: {  	_ =	shalt  }
0x73: {  	_ =	shalt  }
0x74: {  	_ =	shalt  }
0x75: {  	_ =	shalt  }
0x76: {  	_ =	shalt  }
0x77: {  	_ =	shalt  }
0x78: {  	_ =	shalt  }
0x79: {  	_ =	shalt  }
0x7a: {  	_ =	shalt  }
0x7b: {  	_ =	shalt  }
0x7c: {  	_ =	shalt  }
0x7d: {  	_ =	shalt  }
0x7e: {  	_ =	shalt  }
0x7f: {  	_ =	shalt  }
0x80: {  	_ =	shalt  }
0x81: {  	_ =	shalt  }
0x82: {  	_ =	shalt  }
0x83: {  	_ =	shalt  }
0x84: {  	_ =	shalt  }
0x85: {  	_ =	shalt  }
0x86: {  	_ =	shalt  }
0x87: {  	_ =	shalt  }
.Lfunc_end0:
.L_simem_size_0:
called_computation_lowered:
.L_overlay_start_0:
0x88: {  	s2 =	sld [smem:$0x3FD9]  }
0x89: {  	s3 =	sld [smem:$0x3FFE];
	_ =	sdelay $0x1  }
0x8a: {  	s1 =	srdreg.scid  }
0x8b: {  	s0 =	sand.u32 $0x1, s1  }
0x8c: {  	s16 =	sshll.u32 s0, $0xA;
	s2 =	sadd.s32 s3, s2  }
0x8d: {  	s2 =	sadd.s32 s2, s16  }
0x8e: {  	[smem:$0x3FC2] =	sst s2  }
0x8f: {  	_ = 	snop  }
0x90: {  	(tm) =	ssettm $0x1  }
0x91: {  	s17 =	sld [smem:$0x3FFB];
	_ =	sdelay $0x3  }
0x92: {  	_ =	strace s17  }
0x93: {  	s2 =	sld [smem:$0x3FFC];
	_ =	sdelay $0x3  }
0x94: {  	_ =	strace s2  }
0x95: {  	s2 =	sld [smem:$0x3FFD];
	_ =	sdelay $0x3  }
0x96: {  	_ =	strace s2  }
0x97: {  	_ =	strace $0x8FFFFFFF  }
0x98: {  	s18 =	sld [smem:$0x3FDB];
	_ =	sdelay $0x1  }
0x99: {  	s19 =	simm.s32 $_scs_section_size  }
0x9a: {  	s4 =	simm.s32 $_size__tile_overlayer_lowered;
	s5 =	simm.s32 $_tile_overlayer_lowered  }
0x9b: {  	s22 =	simm.s32 $0x1BFF;
	s21 =	sshll.u32 s5, $0x1;
	s2 =	sadd.s32 s19, s18  }
0x9c: {  	s6 =	simm.s32 $0x0;
	s20 =	sshll.u32 s4, $0x1;
	s4 =	sadd.s32 s21, s2  }
0x9d: {  	[timem:s6], [sflag:s22] =	dma.local [hbm:s4], s20  }
0x9e: {  	_ =	swait.ge [sflag:s22], s20  }
0x9f: {  	s3 =	ssub.s32 $0x0, s20;
	[sflag:s22] =	ssyncset.done $0x0  }
0xa0: {  	[sflag:s22] =	ssyncadd.s32 s3;
	_ =	sdelay $0x1  }
0xa1: {  	s23 =	simm.s32 $0x1B8B  }
0xa2: {  	_ =	swait.ge [sflag:s23], $0x1  }
0xa3: {  	[sflag:s23] =	ssyncset.done $0x0  }
0xa4: {  	s25 =	simm.s32 $0x1B8E;
	s24 =	sld [smem:$0x3FFE];
	[sflag:s23] =	ssyncadd.s32 $0xFFFFFFFF  }
0xa5: {  	s26 =	simm.s32 $execute0_lowered;
	[smem:$0x3FD2] =	sst s25  }
0xa6: {  	s4 =	sshll.u32 s26, $0x1;
	_ =	strace $0x80000046;
	[dreg:$0x1] =	wrdreg $0xFFFFFFFF  }
0xa7: {  	s28 =	simm.s32 $_size_execute0_lowered;
	s2 =	sadd.s32 s2, s4;
	[dreg:$0x0] =	wrdreg $0x0  }
0xa8: {  	s4 =	sshll.u32 s28, $0x1;
	[dreg:$0x2] =	wrdreg s2  }
0xa9: {  	[dreg:$0x3] =	wrdreg s4  }
0xaa: {  	[dreg:$0x4] =	wrdreg $0xC0  }
0xab: {  	_ =	task [dreg:s6], $0x5FFFF  }
0xac: {  	[dreg:$0x1] =	wrdreg $0xFFFFFFFF  }
0xad: {  	[dreg:$0x0] =	wrdreg $0x60  }
0xae: {  	[dreg:$0x2] =	wrdreg s24  }
0xaf: {  	[dreg:$0x3] =	wrdreg $0x9  }
0xb0: {  	_ =	task.clear_ibuf [dreg:s6], $0x4FFFF;
	_ =	strace $0x90000046  }
0xb1: {  	s29 =	simm.s32 $0x9;
	_ =	strace $0x80000048  }
0xb2: {  	_ =	swait.ge [sflag:s29], $0x1  }
0xb3: {  	[sflag:s29] =	ssyncadd.s32 $0xFFFFFFFF  }
0xb4: {  	_ =	strace $0x90000048  }
0xb5: {  	_ =	sfence  }
0xb6: {  	s30 =	sld [smem:$0x0];
	_ =	sdelay $0x2  }
0xb7: {  	s31 =	sshll.u32 s1, $0xD;
	s1 =	sshrl.u32 s1, $0x2  }
0xb8: {  	s3 =	sand.u32 $0x4000, s31;
	s1 =	sadd.s32 s1, s30  }
0xb9: {  	s0 =	sor.u32 s3, s0;
	s1 =	sshll.u32 s1, $0x11  }
0xba: {  	s0 =	sor.u32 s1, s0  }
0xbb: {  	s0 =	sadd.s32 $0x8F2B, s0  }
0xbc: {  	[sflag:s0] =	ssyncadd.remote.s32 $0x1  }
0xbd: {  	_ =	sfence.sel $0xFFFF  }
0xbe: {  	[dreg:$0x0] =	wrdreg $0xFFFFFFFF;
	(pc) =	sbr.abs _section_cstart, $3  }
0xbf: {  	[dreg:$0x1] =	wrdreg $0xFFFFFFFF  }
0xc0: {  	_ =	task.clear_ibuf [dreg:s6], $0x2FFFF;
	_ =	strace $0x9FFFFFFF  }
0xc1: {  	(tm) =	ssettm $0x7FFFFFFF  }
tec
execute0_lowered:
.L_overlay_start_1:
0x0: {  	(tag) =	ssettag $0x1  }
0x1: {  	s0 =	srdreg.scid  }
0x2: {  	s4 =	rddreg [dreg:$0x0];
	s1 =	stileid.u32;
	s3 =	sand.u32 $0x1, s0  }
0x3: {  	s2 =	simm.s32 $0x0;
	s9 =	simm.s32 $0x2;
	s5 =	sshll.u32 s3, $0x4  }
0x4: {  	s10 =	simm.s32 $0x0;
	s0 =	rddreg [dreg:$0x1];
	s5 =	sor.u32 s1, s5  }
0x5: {  	[smem:$0x7FF] =	sst s2;
	s7 =	ssub.s32 $0x2, s3;
	s6 =	smul.u32 $0x4F0, s5  }
0x6: {  	_ =	strace $0x80000047;
	s8 =	sshrl.u32 s7, $0x1;
	s5 =	smul.u32 $0x500, s5  }
0x7: {  	s3 =	sadd.s32 $0xB400, s4;
	s7 =	ssub.s32 s7, s8;
	s6 =	sadd.s32 s6, s4  }
0x8: {  	s8 =	simm.s32 $0x2780;
	s5 =	sadd.s32 s5, s4;
	s4 =	sadd.s32 $0x1600, s6  }
0x9: {  	v0 =	vimm.f32 $1.000000000e+00;
	s5 =	sadd.s32 $0xBA00, s5;
	s6 =	smax.u32 s7, $0x1;
	s7 =	simm.s32 $0x1  }
.LBB2_1:
0xa: {  	[tilespmem:s2], [sflag:$0x1] =	stream.linear.gather [hbm4b:s4+s2], $0x2780, $0x38;
	[tilespmem:$0x4F80] =	vst v63  }
0xb: {  	_ =	swait.ge [sflag:s7], $0x2780  }
0xc: {  	[sflag:s7] =	ssyncset.done $0x0  }
0xd: {  	[sflag:s7] =	ssyncadd.s32 $0xFFFFD880  }
0xe: {  	[tilespmem:s8], [sflag:$0x2] =	stream.linear.gather [hbm4b:s3+s2], $0x2800, $0x38;
	[tilespmem:$0x4F80] =	vst v63  }
0xf: {  	_ =	swait.ge [sflag:s9], $0x2800  }
0x10: {  	[sflag:s9] =	ssyncset.done $0x0  }
0x11: {  	s12 =	sand.u32 $0x3FF0, s2;
	s11 =	simm.s32 $0x10;
	[sflag:s9] =	ssyncadd.s32 $0xFFFFD800  }
.LBB2_2:
0x12: {  	p0 =	sne.s32 s11, $0x2770;
	v1 =	vld [tilespmem:s12+$0x0];
	_ =	sdelay $0x3  }
.Ltmp0:
0x13: {  	(pc) =	sbr.rel @p0 .LBB2_2-.Ltmp0, $2  }
0x14: {  	_ =	sdelay $0x2  }
0x15: {  	s12 =	sand.u32 $0x3FF0, s11;
	s11 =	sadd.s32 $0x10, s11;
	[tilespmem:v1+s8+$0x0] =	vst.idx.add.f32.msk $0xffff, v0  }
0x16: {  	v1 =	vld [tilespmem:s12+$0x0];
	_ =	sdelay $0x5  }
0x17: {  	s10 =	sadd.s32 $0x1, s10  }
0x18: {  	p0 =	sne.s32 s10, s6  }
.Ltmp1:
0x19: {  	[tilespmem:v1+s8+$0x0] =	vst.idx.add.f32.msk $0xffff, v0;
	(pc) =	sbr.rel @p0 .LBB2_1-.Ltmp1, $4  }
0x1a: {  	[hbm4b:s5+s2] =	stream.linear.scatter [tilespmem:s8], [sflag:$0x2], $0x2800, $0x38;
	[tilespmem:$0x4F80] =	vst v63  }
0x1b: {  	_ =	swait.ge [sflag:s9], $0x2800  }
0x1c: {  	[sflag:s9] =	ssyncset.done $0x0  }
0x1d: {  	[sflag:s9] =	ssyncadd.s32 $0xFFFFD800  }
0x1e: {  	_ =	sfence.sel $0x180000  }
0x1f: {  	[bflag:$0x0] =	sbarrier.arrive $0xFFFF  }
0x20: {  	p0 =	sne.s32 s1, $0x0;
	_ =	strace $0x90000047  }
0x21: {  	s0 =	sadd.s32 @!p0 $0x100000, s0;
	[bflag:$0x2] =	sbarrier.arrive $0xFFFF  }
0x22: {  	[sflag:s0] =	ssyncadd.tile.s32 @!p0 $0x1;
	_ =	shalt  }
.Lfunc_end2:
_tile_overlayer_lowered:
.L_overlay_start_2:
0x23: {  	(tag) =	ssettag $0x2  }
0x24: {  	s0 =	rddreg [dreg:$0x0];
	s2 =	stileid.u32  }
0x25: {  	s1 =	rddreg [dreg:$0x1];
	p0 =	sne.s32 s2, $0x0  }
0x26: {  	s3 =	rddreg [dreg:$0x2];
	[bflag:$0x3] =	sbarrier.arrive $0xFFFF;
	s2 =	simm.s32 @!p0 $0x1C02  }
0x27: {  	[timem:s3], [sflag:s2] =	dma.local @!p0 [hbm:s0], s1  }
0x28: {  	s0 =	simm.s32 @!p0 $0x2  }
0x29: {  	_ =	swait.ge @!p0 [sflag:s0], s1  }
0x2a: {  	s1 =	ssub.s32 @!p0 $0x0, s1;
	[sflag:s0] =	ssyncset.done @!p0 $0x0  }
0x2b: {  	[sflag:s0] =	ssyncadd.s32 @!p0 s1  }
0x2c: {  	[bflag:$0x3] =	sbarrier.arrive $0xFFFF  }
0x2d: {  	_ =	shalt  }

</sc_bundles>
